<compile_context>
chip_gen: v7x
topology: tpu7x:2x2x1
jax: 0.10.2.dev20260603
libtpu: 0.0.44.dev20260713+nightly
codegen_flags: <defaults>
</compile_context>

<pallas_src>
import jax
import jax.numpy as jnp
from jax import lax
from jax.experimental import pallas as pl
from jax.experimental.pallas import tpu as pltpu
from jax.experimental.pallas import tpu_sc as plsc

NUM_NODES = 1000000
NUM_RELS = 100
D = 32
T = 16384

NC = 2
NS = 16
NW = NC * NS
PER_W = T // NW
N_STREAM = 4
STREAM_B = PER_W // N_STREAM
CHUNKS = PER_W // 16


def _sc_score(node_hbm, rel_hbm, hi_hbm, ri_hbm, ti_hbm, out_hbm,
              hidx_v, tidx_v, ridx_v, hrows_v, trows_v, rel_v, out_v,
              sem_h, sem_t):
    wid = lax.axis_index("s") * NC + lax.axis_index("c")

    pltpu.sync_copy(hi_hbm.at[wid], hidx_v)
    pltpu.sync_copy(ti_hbm.at[wid], tidx_v)
    pltpu.sync_copy(ri_hbm.at[wid], ridx_v)
    pltpu.sync_copy(rel_hbm, rel_v)

    copies = []
    for j in range(N_STREAM):
        dst = pl.ds(j * STREAM_B, STREAM_B)
        copies.append(pltpu.async_copy(
            node_hbm.at[hidx_v.at[j]], hrows_v.at[dst], sem_h))
        copies.append(pltpu.async_copy(
            node_hbm.at[tidx_v.at[j]], trows_v.at[dst], sem_t))
    for cp in copies:
        cp.wait()

    iota16 = lax.iota(jnp.int32, 16)

    def chunk_body(c, carry):
        base = c * 16
        rows = base + iota16
        ridx16 = ridx_v[pl.ds(base, 16)]
        acc = jnp.zeros((16,), jnp.float32)
        for d in range(D):
            dcol = jnp.full((16,), d, jnp.int32)
            hv = plsc.load_gather(hrows_v, [rows, dcol])
            tv = plsc.load_gather(trows_v, [rows, dcol])
            rv = plsc.load_gather(rel_v, [ridx16, dcol])
            acc = acc + hv * rv * tv
        out_v[pl.ds(base, 16)] = acc
        return carry

    lax.fori_loop(0, CHUNKS, chunk_body, 0)

    pltpu.sync_copy(out_v, out_hbm.at[wid])


def kernel(node_embedding, relational_embedding, triplets):
    tri = triplets.astype(jnp.int32)
    hi = tri[:, 0].reshape(NW, N_STREAM, STREAM_B)
    ri = tri[:, 1].reshape(NW, PER_W)
    ti = tri[:, 2].reshape(NW, N_STREAM, STREAM_B)

    mesh = plsc.VectorSubcoreMesh(core_axis_name="c", subcore_axis_name="s")
    scores = pl.kernel(
        _sc_score,
        out_type=jax.ShapeDtypeStruct((NW, PER_W), jnp.float32),
        mesh=mesh,
        compiler_params=pltpu.CompilerParams(
            needs_layout_passes=False, use_tc_tiling_on_sc=False),
        scratch_types=[
            pltpu.VMEM((N_STREAM, STREAM_B), jnp.int32),
            pltpu.VMEM((N_STREAM, STREAM_B), jnp.int32),
            pltpu.VMEM((PER_W,), jnp.int32),
            pltpu.VMEM((PER_W, D), jnp.float32),
            pltpu.VMEM((PER_W, D), jnp.float32),
            pltpu.VMEM((NUM_RELS, D), jnp.float32),
            pltpu.VMEM((PER_W,), jnp.float32),
            pltpu.SemaphoreType.DMA,
            pltpu.SemaphoreType.DMA,
        ],
    )(node_embedding, relational_embedding, hi, ri, ti)
    return scores.reshape(T)

# --- scband reference (transcript-rebuilt; emitter-appended) ---
"""Pipeline reference for scband-hetero-embed-41944650612877 (READ-ONLY COPY).

The authoritative reference and input builder live on the scoring server;
editing this copy changes nothing except your own understanding.
"""

import jax, jax.numpy as jnp
import numpy as np

NUM_NODES = 1000000
NUM_RELS = 100
D = 32
T = 16384


def setup_inputs(seed: int = 0) -> dict:
    key = jax.random.key(seed)
    k1, k2, k3, k4, k5 = jax.random.split(key, 5)
    # node_embedding: output of the RGCN encoder, treated here as a dense table input
    node_embedding = jax.random.normal(k1, (NUM_NODES, D), dtype=jnp.float32)
    # relational_embedding parameter: xavier_uniform with relu gain, as in nn.init
    gain = float(np.sqrt(2.0))
    bound = gain * float(np.sqrt(6.0 / (NUM_RELS + D)))
    relational_embedding = jax.random.uniform(
        k2, (NUM_RELS, D), minval=-bound, maxval=bound, dtype=jnp.float32
    )
    # triplets: (head, relation, tail); heads/tails index nodes, relations index rels
    h = jax.random.randint(k3, (T,), 0, NUM_NODES)
    r = jax.random.randint(k4, (T,), 0, NUM_RELS)
    t = jax.random.randint(k5, (T,), 0, NUM_NODES)
    triplets = jnp.stack([h, r, t], axis=1)
    return {
        "node_embedding": node_embedding,
        "relational_embedding": relational_embedding,
        "triplets": triplets,
    }


def _distmult(h, r, t):
    # proto scoring function: DistMult <h, r, t>
    return jnp.sum(h * r * t, axis=-1)


def reference(node_embedding, relational_embedding, triplets):
    # Faithful translation of HeteroEmbed.score:
    #   h, r, t = triplets.T
    #   score = proto(node_embedding[h], relational_embedding[r], node_embedding[t])
    h = jnp.take(node_embedding, triplets[:, 0], axis=0)
    r = jnp.take(relational_embedding, triplets[:, 1], axis=0)
    t = jnp.take(node_embedding, triplets[:, 2], axis=0)
    return _distmult(h, r, t)

if __name__ == "__main__":
    import jax
    _d = setup_inputs()
    print(jax.jit(kernel)(*tuple(_d.values())))

</pallas_src>

<mosaic_0001>
#map = affine_map<(d0, d1) -> (0, 0)>
#map1 = affine_map<(d0, d1) -> (0, 0, 0)>
module attributes {stable_mosaic.version = 14 : i64} {
  func.func @_sc_score(%arg0: i32, %arg1: i32, %arg2: memref<1000000x32xf32, #tpu.memory_space<hbm>>, %arg3: memref<100x32xf32, #tpu.memory_space<hbm>>, %arg4: memref<32x4x128xi32, #tpu.memory_space<hbm>>, %arg5: memref<32x512xi32, #tpu.memory_space<hbm>>, %arg6: memref<32x4x128xi32, #tpu.memory_space<hbm>>, %arg7: memref<32x512xf32, #tpu.memory_space<hbm>>, %arg8: memref<4x128xi32, #tpu.memory_space<vmem>>, %arg9: memref<4x128xi32, #tpu.memory_space<vmem>>, %arg10: memref<512xi32, #tpu.memory_space<vmem>>, %arg11: memref<512x32xf32, #tpu.memory_space<vmem>>, %arg12: memref<512x32xf32, #tpu.memory_space<vmem>>, %arg13: memref<100x32xf32, #tpu.memory_space<vmem>>, %arg14: memref<512xf32, #tpu.memory_space<vmem>>, %arg15: memref<!tpu.dma_semaphore, #tpu.memory_space<semaphore_mem>>, %arg16: memref<!tpu.dma_semaphore, #tpu.memory_space<semaphore_mem>>) attributes {dimension_semantics = [#tpu.dimension_semantics<core_parallel>, #tpu.dimension_semantics<subcore_parallel>], iteration_bounds = array<i64: 2, 16>, scalar_prefetch = 0 : i64, scratch_operands = 9 : i64, tpu.core_type = #tpu.core_type<sc_vector_subcore>, window_params = [{transform_indices = #map}, {transform_indices = #map}, {transform_indices = #map1}, {transform_indices = #map}, {transform_indices = #map1}, {transform_indices = #map}]} {
    %mul3A = arith.constant 2 : i32
    %mul3A_0 = arith.muli %arg1, %mul3A : i32
    %add3A = arith.addi %mul3A_0, %arg0 : i32
    "tpu.region"() ({
      %run_scoped3A = tpu.sem_alloc : memref<!tpu.dma_semaphore, #tpu.memory_space<semaphore_mem>>
      %dma_start3A_164 = arith.constant 0 : i32
      %dma_start3A_165 = arith.constant 0 : i32
      %dma_start3A_166 = tpu.memref_slice %arg4[%add3A, %dma_start3A_164, %dma_start3A_165] : memref<32x4x128xi32, #tpu.memory_space<hbm>> -> memref<1x4x128xi32, #tpu.memory_space<hbm>>
      %dma_start3A_167 = tpu.memref_squeeze %dma_start3A_166 : memref<1x4x128xi32, #tpu.memory_space<hbm>> -> memref<4x128xi32, #tpu.memory_space<hbm>>
      %dma_start3A_168 = arith.constant 0 : i32
      %dma_start3A_169 = arith.constant 0 : i32
      %dma_start3A_170 = tpu.memref_slice %arg4[%add3A, %dma_start3A_168, %dma_start3A_169] : memref<32x4x128xi32, #tpu.memory_space<hbm>> -> memref<1x4x128xi32, #tpu.memory_space<hbm>>
      %dma_start3A_171 = tpu.memref_squeeze %dma_start3A_170 : memref<1x4x128xi32, #tpu.memory_space<hbm>> -> memref<4x128xi32, #tpu.memory_space<hbm>>
      tpu.enqueue_dma source(%dma_start3A_171 : memref<4x128xi32, #tpu.memory_space<hbm>>) target(%arg8 : memref<4x128xi32, #tpu.memory_space<vmem>>) target_semaphore(%run_scoped3A : memref<!tpu.dma_semaphore, #tpu.memory_space<semaphore_mem>>)
      %dma_wait3A_172 = arith.constant 0 : i32
      %dma_wait3A_173 = arith.constant 0 : i32
      %dma_wait3A_174 = tpu.memref_slice %arg4[%add3A, %dma_wait3A_172, %dma_wait3A_173] : memref<32x4x128xi32, #tpu.memory_space<hbm>> -> memref<1x4x128xi32, #tpu.memory_space<hbm>>
      %dma_wait3A_175 = tpu.memref_squeeze %dma_wait3A_174 : memref<1x4x128xi32, #tpu.memory_space<hbm>> -> memref<4x128xi32, #tpu.memory_space<hbm>>
      %dma_wait3A_176 = arith.constant 0 : i32
      %dma_wait3A_177 = arith.constant 0 : i32
      %dma_wait3A_178 = tpu.memref_slice %arg4[%add3A, %dma_wait3A_176, %dma_wait3A_177] : memref<32x4x128xi32, #tpu.memory_space<hbm>> -> memref<1x4x128xi32, #tpu.memory_space<hbm>>
      %dma_wait3A_179 = tpu.memref_squeeze %dma_wait3A_178 : memref<1x4x128xi32, #tpu.memory_space<hbm>> -> memref<4x128xi32, #tpu.memory_space<hbm>>
      tpu.wait_dma2 semaphore(%run_scoped3A : memref<!tpu.dma_semaphore, #tpu.memory_space<semaphore_mem>>) src(%dma_wait3A_179 : memref<4x128xi32, #tpu.memory_space<hbm>>) dst(%arg8 : memref<4x128xi32, #tpu.memory_space<vmem>>)
      tpu.yield
    }) : () -> ()
    "tpu.region"() ({
      %run_scoped3A = tpu.sem_alloc : memref<!tpu.dma_semaphore, #tpu.memory_space<semaphore_mem>>
      %dma_start3A_164 = arith.constant 0 : i32
      %dma_start3A_165 = arith.constant 0 : i32
      %dma_start3A_166 = tpu.memref_slice %arg6[%add3A, %dma_start3A_164, %dma_start3A_165] : memref<32x4x128xi32, #tpu.memory_space<hbm>> -> memref<1x4x128xi32, #tpu.memory_space<hbm>>
      %dma_start3A_167 = tpu.memref_squeeze %dma_start3A_166 : memref<1x4x128xi32, #tpu.memory_space<hbm>> -> memref<4x128xi32, #tpu.memory_space<hbm>>
      %dma_start3A_168 = arith.constant 0 : i32
      %dma_start3A_169 = arith.constant 0 : i32
      %dma_start3A_170 = tpu.memref_slice %arg6[%add3A, %dma_start3A_168, %dma_start3A_169] : memref<32x4x128xi32, #tpu.memory_space<hbm>> -> memref<1x4x128xi32, #tpu.memory_space<hbm>>
      %dma_start3A_171 = tpu.memref_squeeze %dma_start3A_170 : memref<1x4x128xi32, #tpu.memory_space<hbm>> -> memref<4x128xi32, #tpu.memory_space<hbm>>
      tpu.enqueue_dma source(%dma_start3A_171 : memref<4x128xi32, #tpu.memory_space<hbm>>) target(%arg9 : memref<4x128xi32, #tpu.memory_space<vmem>>) target_semaphore(%run_scoped3A : memref<!tpu.dma_semaphore, #tpu.memory_space<semaphore_mem>>)
      %dma_wait3A_172 = arith.constant 0 : i32
      %dma_wait3A_173 = arith.constant 0 : i32
      %dma_wait3A_174 = tpu.memref_slice %arg6[%add3A, %dma_wait3A_172, %dma_wait3A_173] : memref<32x4x128xi32, #tpu.memory_space<hbm>> -> memref<1x4x128xi32, #tpu.memory_space<hbm>>
      %dma_wait3A_175 = tpu.memref_squeeze %dma_wait3A_174 : memref<1x4x128xi32, #tpu.memory_space<hbm>> -> memref<4x128xi32, #tpu.memory_space<hbm>>
      %dma_wait3A_176 = arith.constant 0 : i32
      %dma_wait3A_177 = arith.constant 0 : i32
      %dma_wait3A_178 = tpu.memref_slice %arg6[%add3A, %dma_wait3A_176, %dma_wait3A_177] : memref<32x4x128xi32, #tpu.memory_space<hbm>> -> memref<1x4x128xi32, #tpu.memory_space<hbm>>
      %dma_wait3A_179 = tpu.memref_squeeze %dma_wait3A_178 : memref<1x4x128xi32, #tpu.memory_space<hbm>> -> memref<4x128xi32, #tpu.memory_space<hbm>>
      tpu.wait_dma2 semaphore(%run_scoped3A : memref<!tpu.dma_semaphore, #tpu.memory_space<semaphore_mem>>) src(%dma_wait3A_179 : memref<4x128xi32, #tpu.memory_space<hbm>>) dst(%arg9 : memref<4x128xi32, #tpu.memory_space<vmem>>)
      tpu.yield
    }) : () -> ()
    "tpu.region"() ({
      %run_scoped3A = tpu.sem_alloc : memref<!tpu.dma_semaphore, #tpu.memory_space<semaphore_mem>>
      %dma_start3A_164 = arith.constant 0 : i32
      %dma_start3A_165 = tpu.memref_slice %arg5[%add3A, %dma_start3A_164] : memref<32x512xi32, #tpu.memory_space<hbm>> -> memref<1x512xi32, #tpu.memory_space<hbm>>
      %dma_start3A_166 = tpu.memref_squeeze %dma_start3A_165 : memref<1x512xi32, #tpu.memory_space<hbm>> -> memref<512xi32, #tpu.memory_space<hbm>>
      %dma_start3A_167 = arith.constant 0 : i32
      %dma_start3A_168 = tpu.memref_slice %arg5[%add3A, %dma_start3A_167] : memref<32x512xi32, #tpu.memory_space<hbm>> -> memref<1x512xi32, #tpu.memory_space<hbm>>
      %dma_start3A_169 = tpu.memref_squeeze %dma_start3A_168 : memref<1x512xi32, #tpu.memory_space<hbm>> -> memref<512xi32, #tpu.memory_space<hbm>>
      tpu.enqueue_dma source(%dma_start3A_169 : memref<512xi32, #tpu.memory_space<hbm>>) target(%arg10 : memref<512xi32, #tpu.memory_space<vmem>>) target_semaphore(%run_scoped3A : memref<!tpu.dma_semaphore, #tpu.memory_space<semaphore_mem>>)
      %dma_wait3A_170 = arith.constant 0 : i32
      %dma_wait3A_171 = tpu.memref_slice %arg5[%add3A, %dma_wait3A_170] : memref<32x512xi32, #tpu.memory_space<hbm>> -> memref<1x512xi32, #tpu.memory_space<hbm>>
      %dma_wait3A_172 = tpu.memref_squeeze %dma_wait3A_171 : memref<1x512xi32, #tpu.memory_space<hbm>> -> memref<512xi32, #tpu.memory_space<hbm>>
      %dma_wait3A_173 = arith.constant 0 : i32
      %dma_wait3A_174 = tpu.memref_slice %arg5[%add3A, %dma_wait3A_173] : memref<32x512xi32, #tpu.memory_space<hbm>> -> memref<1x512xi32, #tpu.memory_space<hbm>>
      %dma_wait3A_175 = tpu.memref_squeeze %dma_wait3A_174 : memref<1x512xi32, #tpu.memory_space<hbm>> -> memref<512xi32, #tpu.memory_space<hbm>>
      tpu.wait_dma2 semaphore(%run_scoped3A : memref<!tpu.dma_semaphore, #tpu.memory_space<semaphore_mem>>) src(%dma_wait3A_175 : memref<512xi32, #tpu.memory_space<hbm>>) dst(%arg10 : memref<512xi32, #tpu.memory_space<vmem>>)
      tpu.yield
    }) : () -> ()
    "tpu.region"() ({
      %run_scoped3A = tpu.sem_alloc : memref<!tpu.dma_semaphore, #tpu.memory_space<semaphore_mem>>
      tpu.enqueue_dma source(%arg3 : memref<100x32xf32, #tpu.memory_space<hbm>>) target(%arg13 : memref<100x32xf32, #tpu.memory_space<vmem>>) target_semaphore(%run_scoped3A : memref<!tpu.dma_semaphore, #tpu.memory_space<semaphore_mem>>)
      tpu.wait_dma2 semaphore(%run_scoped3A : memref<!tpu.dma_semaphore, #tpu.memory_space<semaphore_mem>>) src(%arg3 : memref<100x32xf32, #tpu.memory_space<hbm>>) dst(%arg13 : memref<100x32xf32, #tpu.memory_space<vmem>>)
      tpu.yield
    }) : () -> ()
    %dma_start3A = arith.constant 0 : i32
    %dma_start3A_1 = arith.constant 0 : i32
    %dma_start3A_2 = arith.constant 0 : i32
    %dma_start3A_3 = tpu.memref_slice %arg11[%dma_start3A_1, %dma_start3A_2] : memref<512x32xf32, #tpu.memory_space<vmem>> -> memref<128x32xf32, #tpu.memory_space<vmem>>
    %dma_start3A_4 = arith.constant 0 : i32
    %dma_start3A_5 = tpu.memref_slice %arg8[%dma_start3A, %dma_start3A_4] : memref<4x128xi32, #tpu.memory_space<vmem>> -> memref<1x128xi32, #tpu.memory_space<vmem>>
    %dma_start3A_6 = tpu.memref_squeeze %dma_start3A_5 : memref<1x128xi32, #tpu.memory_space<vmem>> -> memref<128xi32, #tpu.memory_space<vmem>>
    %dma_start3A_7 = arith.constant 0 : i32
    %dma_start3A_8 = arith.constant 0 : i32
    %dma_start3A_9 = tpu.memref_slice %arg2[%dma_start3A_7, %dma_start3A_8] : memref<1000000x32xf32, #tpu.memory_space<hbm>> -> memref<1000000x32xf32, #tpu.memory_space<hbm>>
    tpu.enqueue_indirect_dma source(%dma_start3A_9 : memref<1000000x32xf32, #tpu.memory_space<hbm>>) target(%dma_start3A_3 : memref<128x32xf32, #tpu.memory_space<vmem>>) offsets(%dma_start3A_6 : memref<128xi32, #tpu.memory_space<vmem>>) semaphore(%arg15 : memref<!tpu.dma_semaphore, #tpu.memory_space<semaphore_mem>>)
    %dma_start3A_10 = arith.constant 0 : i32
    %dma_start3A_11 = arith.constant 0 : i32
    %dma_start3A_12 = arith.constant 0 : i32
    %dma_start3A_13 = tpu.memref_slice %arg12[%dma_start3A_11, %dma_start3A_12] : memref<512x32xf32, #tpu.memory_space<vmem>> -> memref<128x32xf32, #tpu.memory_space<vmem>>
    %dma_start3A_14 = arith.constant 0 : i32
    %dma_start3A_15 = tpu.memref_slice %arg9[%dma_start3A_10, %dma_start3A_14] : memref<4x128xi32, #tpu.memory_space<vmem>> -> memref<1x128xi32, #tpu.memory_space<vmem>>
    %dma_start3A_16 = tpu.memref_squeeze %dma_start3A_15 : memref<1x128xi32, #tpu.memory_space<vmem>> -> memref<128xi32, #tpu.memory_space<vmem>>
    %dma_start3A_17 = arith.constant 0 : i32
    %dma_start3A_18 = arith.constant 0 : i32
    %dma_start3A_19 = tpu.memref_slice %arg2[%dma_start3A_17, %dma_start3A_18] : memref<1000000x32xf32, #tpu.memory_space<hbm>> -> memref<1000000x32xf32, #tpu.memory_space<hbm>>
    tpu.enqueue_indirect_dma source(%dma_start3A_19 : memref<1000000x32xf32, #tpu.memory_space<hbm>>) target(%dma_start3A_13 : memref<128x32xf32, #tpu.memory_space<vmem>>) offsets(%dma_start3A_16 : memref<128xi32, #tpu.memory_space<vmem>>) semaphore(%arg16 : memref<!tpu.dma_semaphore, #tpu.memory_space<semaphore_mem>>)
    %dma_start3A_20 = arith.constant 1 : i32
    %dma_start3A_21 = arith.constant 128 : i32
    %dma_start3A_22 = arith.constant 0 : i32
    %dma_start3A_23 = tpu.memref_slice %arg11[%dma_start3A_21, %dma_start3A_22] : memref<512x32xf32, #tpu.memory_space<vmem>> -> memref<128x32xf32, #tpu.memory_space<vmem>>
    %dma_start3A_24 = arith.constant 0 : i32
    %dma_start3A_25 = tpu.memref_slice %arg8[%dma_start3A_20, %dma_start3A_24] : memref<4x128xi32, #tpu.memory_space<vmem>> -> memref<1x128xi32, #tpu.memory_space<vmem>>
    %dma_start3A_26 = tpu.memref_squeeze %dma_start3A_25 : memref<1x128xi32, #tpu.memory_space<vmem>> -> memref<128xi32, #tpu.memory_space<vmem>>
    %dma_start3A_27 = arith.constant 0 : i32
    %dma_start3A_28 = arith.constant 0 : i32
    %dma_start3A_29 = tpu.memref_slice %arg2[%dma_start3A_27, %dma_start3A_28] : memref<1000000x32xf32, #tpu.memory_space<hbm>> -> memref<1000000x32xf32, #tpu.memory_space<hbm>>
    tpu.enqueue_indirect_dma source(%dma_start3A_29 : memref<1000000x32xf32, #tpu.memory_space<hbm>>) target(%dma_start3A_23 : memref<128x32xf32, #tpu.memory_space<vmem>>) offsets(%dma_start3A_26 : memref<128xi32, #tpu.memory_space<vmem>>) semaphore(%arg15 : memref<!tpu.dma_semaphore, #tpu.memory_space<semaphore_mem>>)
    %dma_start3A_30 = arith.constant 1 : i32
    %dma_start3A_31 = arith.constant 128 : i32
    %dma_start3A_32 = arith.constant 0 : i32
    %dma_start3A_33 = tpu.memref_slice %arg12[%dma_start3A_31, %dma_start3A_32] : memref<512x32xf32, #tpu.memory_space<vmem>> -> memref<128x32xf32, #tpu.memory_space<vmem>>
    %dma_start3A_34 = arith.constant 0 : i32
    %dma_start3A_35 = tpu.memref_slice %arg9[%dma_start3A_30, %dma_start3A_34] : memref<4x128xi32, #tpu.memory_space<vmem>> -> memref<1x128xi32, #tpu.memory_space<vmem>>
    %dma_start3A_36 = tpu.memref_squeeze %dma_start3A_35 : memref<1x128xi32, #tpu.memory_space<vmem>> -> memref<128xi32, #tpu.memory_space<vmem>>
    %dma_start3A_37 = arith.constant 0 : i32
    %dma_start3A_38 = arith.constant 0 : i32
    %dma_start3A_39 = tpu.memref_slice %arg2[%dma_start3A_37, %dma_start3A_38] : memref<1000000x32xf32, #tpu.memory_space<hbm>> -> memref<1000000x32xf32, #tpu.memory_space<hbm>>
    tpu.enqueue_indirect_dma source(%dma_start3A_39 : memref<1000000x32xf32, #tpu.memory_space<hbm>>) target(%dma_start3A_33 : memref<128x32xf32, #tpu.memory_space<vmem>>) offsets(%dma_start3A_36 : memref<128xi32, #tpu.memory_space<vmem>>) semaphore(%arg16 : memref<!tpu.dma_semaphore, #tpu.memory_space<semaphore_mem>>)
    %dma_start3A_40 = arith.constant 2 : i32
    %dma_start3A_41 = arith.constant 256 : i32
    %dma_start3A_42 = arith.constant 0 : i32
    %dma_start3A_43 = tpu.memref_slice %arg11[%dma_start3A_41, %dma_start3A_42] : memref<512x32xf32, #tpu.memory_space<vmem>> -> memref<128x32xf32, #tpu.memory_space<vmem>>
    %dma_start3A_44 = arith.constant 0 : i32
    %dma_start3A_45 = tpu.memref_slice %arg8[%dma_start3A_40, %dma_start3A_44] : memref<4x128xi32, #tpu.memory_space<vmem>> -> memref<1x128xi32, #tpu.memory_space<vmem>>
    %dma_start3A_46 = tpu.memref_squeeze %dma_start3A_45 : memref<1x128xi32, #tpu.memory_space<vmem>> -> memref<128xi32, #tpu.memory_space<vmem>>
    %dma_start3A_47 = arith.constant 0 : i32
    %dma_start3A_48 = arith.constant 0 : i32
    %dma_start3A_49 = tpu.memref_slice %arg2[%dma_start3A_47, %dma_start3A_48] : memref<1000000x32xf32, #tpu.memory_space<hbm>> -> memref<1000000x32xf32, #tpu.memory_space<hbm>>
    tpu.enqueue_indirect_dma source(%dma_start3A_49 : memref<1000000x32xf32, #tpu.memory_space<hbm>>) target(%dma_start3A_43 : memref<128x32xf32, #tpu.memory_space<vmem>>) offsets(%dma_start3A_46 : memref<128xi32, #tpu.memory_space<vmem>>) semaphore(%arg15 : memref<!tpu.dma_semaphore, #tpu.memory_space<semaphore_mem>>)
    %dma_start3A_50 = arith.constant 2 : i32
    %dma_start3A_51 = arith.constant 256 : i32
    %dma_start3A_52 = arith.constant 0 : i32
    %dma_start3A_53 = tpu.memref_slice %arg12[%dma_start3A_51, %dma_start3A_52] : memref<512x32xf32, #tpu.memory_space<vmem>> -> memref<128x32xf32, #tpu.memory_space<vmem>>
    %dma_start3A_54 = arith.constant 0 : i32
    %dma_start3A_55 = tpu.memref_slice %arg9[%dma_start3A_50, %dma_start3A_54] : memref<4x128xi32, #tpu.memory_space<vmem>> -> memref<1x128xi32, #tpu.memory_space<vmem>>
    %dma_start3A_56 = tpu.memref_squeeze %dma_start3A_55 : memref<1x128xi32, #tpu.memory_space<vmem>> -> memref<128xi32, #tpu.memory_space<vmem>>
    %dma_start3A_57 = arith.constant 0 : i32
    %dma_start3A_58 = arith.constant 0 : i32
    %dma_start3A_59 = tpu.memref_slice %arg2[%dma_start3A_57, %dma_start3A_58] : memref<1000000x32xf32, #tpu.memory_space<hbm>> -> memref<1000000x32xf32, #tpu.memory_space<hbm>>
    tpu.enqueue_indirect_dma source(%dma_start3A_59 : memref<1000000x32xf32, #tpu.memory_space<hbm>>) target(%dma_start3A_53 : memref<128x32xf32, #tpu.memory_space<vmem>>) offsets(%dma_start3A_56 : memref<128xi32, #tpu.memory_space<vmem>>) semaphore(%arg16 : memref<!tpu.dma_semaphore, #tpu.memory_space<semaphore_mem>>)
    %dma_start3A_60 = arith.constant 3 : i32
    %dma_start3A_61 = arith.constant 384 : i32
    %dma_start3A_62 = arith.constant 0 : i32
    %dma_start3A_63 = tpu.memref_slice %arg11[%dma_start3A_61, %dma_start3A_62] : memref<512x32xf32, #tpu.memory_space<vmem>> -> memref<128x32xf32, #tpu.memory_space<vmem>>
    %dma_start3A_64 = arith.constant 0 : i32
    %dma_start3A_65 = tpu.memref_slice %arg8[%dma_start3A_60, %dma_start3A_64] : memref<4x128xi32, #tpu.memory_space<vmem>> -> memref<1x128xi32, #tpu.memory_space<vmem>>
    %dma_start3A_66 = tpu.memref_squeeze %dma_start3A_65 : memref<1x128xi32, #tpu.memory_space<vmem>> -> memref<128xi32, #tpu.memory_space<vmem>>
    %dma_start3A_67 = arith.constant 0 : i32
    %dma_start3A_68 = arith.constant 0 : i32
    %dma_start3A_69 = tpu.memref_slice %arg2[%dma_start3A_67, %dma_start3A_68] : memref<1000000x32xf32, #tpu.memory_space<hbm>> -> memref<1000000x32xf32, #tpu.memory_space<hbm>>
    tpu.enqueue_indirect_dma source(%dma_start3A_69 : memref<1000000x32xf32, #tpu.memory_space<hbm>>) target(%dma_start3A_63 : memref<128x32xf32, #tpu.memory_space<vmem>>) offsets(%dma_start3A_66 : memref<128xi32, #tpu.memory_space<vmem>>) semaphore(%arg15 : memref<!tpu.dma_semaphore, #tpu.memory_space<semaphore_mem>>)
    %dma_start3A_70 = arith.constant 3 : i32
    %dma_start3A_71 = arith.constant 384 : i32
    %dma_start3A_72 = arith.constant 0 : i32
    %dma_start3A_73 = tpu.memref_slice %arg12[%dma_start3A_71, %dma_start3A_72] : memref<512x32xf32, #tpu.memory_space<vmem>> -> memref<128x32xf32, #tpu.memory_space<vmem>>
    %dma_start3A_74 = arith.constant 0 : i32
    %dma_start3A_75 = tpu.memref_slice %arg9[%dma_start3A_70, %dma_start3A_74] : memref<4x128xi32, #tpu.memory_space<vmem>> -> memref<1x128xi32, #tpu.memory_space<vmem>>
    %dma_start3A_76 = tpu.memref_squeeze %dma_start3A_75 : memref<1x128xi32, #tpu.memory_space<vmem>> -> memref<128xi32, #tpu.memory_space<vmem>>
    %dma_start3A_77 = arith.constant 0 : i32
    %dma_start3A_78 = arith.constant 0 : i32
    %dma_start3A_79 = tpu.memref_slice %arg2[%dma_start3A_77, %dma_start3A_78] : memref<1000000x32xf32, #tpu.memory_space<hbm>> -> memref<1000000x32xf32, #tpu.memory_space<hbm>>
    tpu.enqueue_indirect_dma source(%dma_start3A_79 : memref<1000000x32xf32, #tpu.memory_space<hbm>>) target(%dma_start3A_73 : memref<128x32xf32, #tpu.memory_space<vmem>>) offsets(%dma_start3A_76 : memref<128xi32, #tpu.memory_space<vmem>>) semaphore(%arg16 : memref<!tpu.dma_semaphore, #tpu.memory_space<semaphore_mem>>)
    %dma_wait3A = arith.constant 0 : i32
    %dma_wait3A_80 = arith.constant 0 : i32
    %dma_wait3A_81 = arith.constant 0 : i32
    %dma_wait3A_82 = tpu.memref_slice %arg11[%dma_wait3A_80, %dma_wait3A_81] : memref<512x32xf32, #tpu.memory_space<vmem>> -> memref<128x32xf32, #tpu.memory_space<vmem>>
    %dma_wait3A_83 = arith.constant 0 : i32
    %dma_wait3A_84 = tpu.memref_slice %arg8[%dma_wait3A, %dma_wait3A_83] : memref<4x128xi32, #tpu.memory_space<vmem>> -> memref<1x128xi32, #tpu.memory_space<vmem>>
    %dma_wait3A_85 = tpu.memref_squeeze %dma_wait3A_84 : memref<1x128xi32, #tpu.memory_space<vmem>> -> memref<128xi32, #tpu.memory_space<vmem>>
    %dma_wait3A_86 = arith.constant 0 : i32
    %dma_wait3A_87 = arith.constant 0 : i32
    %dma_wait3A_88 = tpu.memref_slice %arg2[%dma_wait3A_86, %dma_wait3A_87] : memref<1000000x32xf32, #tpu.memory_space<hbm>> -> memref<1000000x32xf32, #tpu.memory_space<hbm>>
    tpu.wait_indirect_dma semaphore(%arg15 : memref<!tpu.dma_semaphore, #tpu.memory_space<semaphore_mem>>) src(%dma_wait3A_88 : memref<1000000x32xf32, #tpu.memory_space<hbm>>) dst(%dma_wait3A_82 : memref<128x32xf32, #tpu.memory_space<vmem>>)
    %dma_wait3A_89 = arith.constant 0 : i32
    %dma_wait3A_90 = arith.constant 0 : i32
    %dma_wait3A_91 = arith.constant 0 : i32
    %dma_wait3A_92 = tpu.memref_slice %arg12[%dma_wait3A_90, %dma_wait3A_91] : memref<512x32xf32, #tpu.memory_space<vmem>> -> memref<128x32xf32, #tpu.memory_space<vmem>>
    %dma_wait3A_93 = arith.constant 0 : i32
    %dma_wait3A_94 = tpu.memref_slice %arg9[%dma_wait3A_89, %dma_wait3A_93] : memref<4x128xi32, #tpu.memory_space<vmem>> -> memref<1x128xi32, #tpu.memory_space<vmem>>
    %dma_wait3A_95 = tpu.memref_squeeze %dma_wait3A_94 : memref<1x128xi32, #tpu.memory_space<vmem>> -> memref<128xi32, #tpu.memory_space<vmem>>
    %dma_wait3A_96 = arith.constant 0 : i32
    %dma_wait3A_97 = arith.constant 0 : i32
    %dma_wait3A_98 = tpu.memref_slice %arg2[%dma_wait3A_96, %dma_wait3A_97] : memref<1000000x32xf32, #tpu.memory_space<hbm>> -> memref<1000000x32xf32, #tpu.memory_space<hbm>>
    tpu.wait_indirect_dma semaphore(%arg16 : memref<!tpu.dma_semaphore, #tpu.memory_space<semaphore_mem>>) src(%dma_wait3A_98 : memref<1000000x32xf32, #tpu.memory_space<hbm>>) dst(%dma_wait3A_92 : memref<128x32xf32, #tpu.memory_space<vmem>>)
    %dma_wait3A_99 = arith.constant 1 : i32
    %dma_wait3A_100 = arith.constant 128 : i32
    %dma_wait3A_101 = arith.constant 0 : i32
    %dma_wait3A_102 = tpu.memref_slice %arg11[%dma_wait3A_100, %dma_wait3A_101] : memref<512x32xf32, #tpu.memory_space<vmem>> -> memref<128x32xf32, #tpu.memory_space<vmem>>
    %dma_wait3A_103 = arith.constant 0 : i32
    %dma_wait3A_104 = tpu.memref_slice %arg8[%dma_wait3A_99, %dma_wait3A_103] : memref<4x128xi32, #tpu.memory_space<vmem>> -> memref<1x128xi32, #tpu.memory_space<vmem>>
    %dma_wait3A_105 = tpu.memref_squeeze %dma_wait3A_104 : memref<1x128xi32, #tpu.memory_space<vmem>> -> memref<128xi32, #tpu.memory_space<vmem>>
    %dma_wait3A_106 = arith.constant 0 : i32
    %dma_wait3A_107 = arith.constant 0 : i32
    %dma_wait3A_108 = tpu.memref_slice %arg2[%dma_wait3A_106, %dma_wait3A_107] : memref<1000000x32xf32, #tpu.memory_space<hbm>> -> memref<1000000x32xf32, #tpu.memory_space<hbm>>
    tpu.wait_indirect_dma semaphore(%arg15 : memref<!tpu.dma_semaphore, #tpu.memory_space<semaphore_mem>>) src(%dma_wait3A_108 : memref<1000000x32xf32, #tpu.memory_space<hbm>>) dst(%dma_wait3A_102 : memref<128x32xf32, #tpu.memory_space<vmem>>)
    %dma_wait3A_109 = arith.constant 1 : i32
    %dma_wait3A_110 = arith.constant 128 : i32
    %dma_wait3A_111 = arith.constant 0 : i32
    %dma_wait3A_112 = tpu.memref_slice %arg12[%dma_wait3A_110, %dma_wait3A_111] : memref<512x32xf32, #tpu.memory_space<vmem>> -> memref<128x32xf32, #tpu.memory_space<vmem>>
    %dma_wait3A_113 = arith.constant 0 : i32
    %dma_wait3A_114 = tpu.memref_slice %arg9[%dma_wait3A_109, %dma_wait3A_113] : memref<4x128xi32, #tpu.memory_space<vmem>> -> memref<1x128xi32, #tpu.memory_space<vmem>>
    %dma_wait3A_115 = tpu.memref_squeeze %dma_wait3A_114 : memref<1x128xi32, #tpu.memory_space<vmem>> -> memref<128xi32, #tpu.memory_space<vmem>>
    %dma_wait3A_116 = arith.constant 0 : i32
    %dma_wait3A_117 = arith.constant 0 : i32
    %dma_wait3A_118 = tpu.memref_slice %arg2[%dma_wait3A_116, %dma_wait3A_117] : memref<1000000x32xf32, #tpu.memory_space<hbm>> -> memref<1000000x32xf32, #tpu.memory_space<hbm>>
    tpu.wait_indirect_dma semaphore(%arg16 : memref<!tpu.dma_semaphore, #tpu.memory_space<semaphore_mem>>) src(%dma_wait3A_118 : memref<1000000x32xf32, #tpu.memory_space<hbm>>) dst(%dma_wait3A_112 : memref<128x32xf32, #tpu.memory_space<vmem>>)
    %dma_wait3A_119 = arith.constant 2 : i32
    %dma_wait3A_120 = arith.constant 256 : i32
    %dma_wait3A_121 = arith.constant 0 : i32
    %dma_wait3A_122 = tpu.memref_slice %arg11[%dma_wait3A_120, %dma_wait3A_121] : memref<512x32xf32, #tpu.memory_space<vmem>> -> memref<128x32xf32, #tpu.memory_space<vmem>>
    %dma_wait3A_123 = arith.constant 0 : i32
    %dma_wait3A_124 = tpu.memref_slice %arg8[%dma_wait3A_119, %dma_wait3A_123] : memref<4x128xi32, #tpu.memory_space<vmem>> -> memref<1x128xi32, #tpu.memory_space<vmem>>
    %dma_wait3A_125 = tpu.memref_squeeze %dma_wait3A_124 : memref<1x128xi32, #tpu.memory_space<vmem>> -> memref<128xi32, #tpu.memory_space<vmem>>
    %dma_wait3A_126 = arith.constant 0 : i32
    %dma_wait3A_127 = arith.constant 0 : i32
    %dma_wait3A_128 = tpu.memref_slice %arg2[%dma_wait3A_126, %dma_wait3A_127] : memref<1000000x32xf32, #tpu.memory_space<hbm>> -> memref<1000000x32xf32, #tpu.memory_space<hbm>>
    tpu.wait_indirect_dma semaphore(%arg15 : memref<!tpu.dma_semaphore, #tpu.memory_space<semaphore_mem>>) src(%dma_wait3A_128 : memref<1000000x32xf32, #tpu.memory_space<hbm>>) dst(%dma_wait3A_122 : memref<128x32xf32, #tpu.memory_space<vmem>>)
    %dma_wait3A_129 = arith.constant 2 : i32
    %dma_wait3A_130 = arith.constant 256 : i32
    %dma_wait3A_131 = arith.constant 0 : i32
    %dma_wait3A_132 = tpu.memref_slice %arg12[%dma_wait3A_130, %dma_wait3A_131] : memref<512x32xf32, #tpu.memory_space<vmem>> -> memref<128x32xf32, #tpu.memory_space<vmem>>
    %dma_wait3A_133 = arith.constant 0 : i32
    %dma_wait3A_134 = tpu.memref_slice %arg9[%dma_wait3A_129, %dma_wait3A_133] : memref<4x128xi32, #tpu.memory_space<vmem>> -> memref<1x128xi32, #tpu.memory_space<vmem>>
    %dma_wait3A_135 = tpu.memref_squeeze %dma_wait3A_134 : memref<1x128xi32, #tpu.memory_space<vmem>> -> memref<128xi32, #tpu.memory_space<vmem>>
    %dma_wait3A_136 = arith.constant 0 : i32
    %dma_wait3A_137 = arith.constant 0 : i32
    %dma_wait3A_138 = tpu.memref_slice %arg2[%dma_wait3A_136, %dma_wait3A_137] : memref<1000000x32xf32, #tpu.memory_space<hbm>> -> memref<1000000x32xf32, #tpu.memory_space<hbm>>
    tpu.wait_indirect_dma semaphore(%arg16 : memref<!tpu.dma_semaphore, #tpu.memory_space<semaphore_mem>>) src(%dma_wait3A_138 : memref<1000000x32xf32, #tpu.memory_space<hbm>>) dst(%dma_wait3A_132 : memref<128x32xf32, #tpu.memory_space<vmem>>)
    %dma_wait3A_139 = arith.constant 3 : i32
    %dma_wait3A_140 = arith.constant 384 : i32
    %dma_wait3A_141 = arith.constant 0 : i32
    %dma_wait3A_142 = tpu.memref_slice %arg11[%dma_wait3A_140, %dma_wait3A_141] : memref<512x32xf32, #tpu.memory_space<vmem>> -> memref<128x32xf32, #tpu.memory_space<vmem>>
    %dma_wait3A_143 = arith.constant 0 : i32
    %dma_wait3A_144 = tpu.memref_slice %arg8[%dma_wait3A_139, %dma_wait3A_143] : memref<4x128xi32, #tpu.memory_space<vmem>> -> memref<1x128xi32, #tpu.memory_space<vmem>>
    %dma_wait3A_145 = tpu.memref_squeeze %dma_wait3A_144 : memref<1x128xi32, #tpu.memory_space<vmem>> -> memref<128xi32, #tpu.memory_space<vmem>>
    %dma_wait3A_146 = arith.constant 0 : i32
    %dma_wait3A_147 = arith.constant 0 : i32
    %dma_wait3A_148 = tpu.memref_slice %arg2[%dma_wait3A_146, %dma_wait3A_147] : memref<1000000x32xf32, #tpu.memory_space<hbm>> -> memref<1000000x32xf32, #tpu.memory_space<hbm>>
    tpu.wait_indirect_dma semaphore(%arg15 : memref<!tpu.dma_semaphore, #tpu.memory_space<semaphore_mem>>) src(%dma_wait3A_148 : memref<1000000x32xf32, #tpu.memory_space<hbm>>) dst(%dma_wait3A_142 : memref<128x32xf32, #tpu.memory_space<vmem>>)
    %dma_wait3A_149 = arith.constant 3 : i32
    %dma_wait3A_150 = arith.constant 384 : i32
    %dma_wait3A_151 = arith.constant 0 : i32
    %dma_wait3A_152 = tpu.memref_slice %arg12[%dma_wait3A_150, %dma_wait3A_151] : memref<512x32xf32, #tpu.memory_space<vmem>> -> memref<128x32xf32, #tpu.memory_space<vmem>>
    %dma_wait3A_153 = arith.constant 0 : i32
    %dma_wait3A_154 = tpu.memref_slice %arg9[%dma_wait3A_149, %dma_wait3A_153] : memref<4x128xi32, #tpu.memory_space<vmem>> -> memref<1x128xi32, #tpu.memory_space<vmem>>
    %dma_wait3A_155 = tpu.memref_squeeze %dma_wait3A_154 : memref<1x128xi32, #tpu.memory_space<vmem>> -> memref<128xi32, #tpu.memory_space<vmem>>
    %dma_wait3A_156 = arith.constant 0 : i32
    %dma_wait3A_157 = arith.constant 0 : i32
    %dma_wait3A_158 = tpu.memref_slice %arg2[%dma_wait3A_156, %dma_wait3A_157] : memref<1000000x32xf32, #tpu.memory_space<hbm>> -> memref<1000000x32xf32, #tpu.memory_space<hbm>>
    tpu.wait_indirect_dma semaphore(%arg16 : memref<!tpu.dma_semaphore, #tpu.memory_space<semaphore_mem>>) src(%dma_wait3A_158 : memref<1000000x32xf32, #tpu.memory_space<hbm>>) dst(%dma_wait3A_152 : memref<128x32xf32, #tpu.memory_space<vmem>>)
    %iota3A = tpu.iota {dimensions = array<i32: 0>} : vector<16xi32>
    %scan3A = arith.constant 0 : i32
    %scan3A_159 = arith.constant 0 : i32
    %scan3A_160 = arith.constant 32 : i32
    %scan3A_161 = arith.addi %scan3A_159, %scan3A_160 : i32
    %scan3A_162 = arith.constant 1 : i32
    scf.for %scan3A_164 = %scan3A_159 to %scan3A_161 step %scan3A_162  : i32 {
      %mul3A_165 = arith.constant 16 : i32
      %mul3A_166 = arith.muli %scan3A_164, %mul3A_165 : i32
      %add3A_167 = vector.broadcast %mul3A_166 : i32 to vector<16xi32>
      %add3A_168 = arith.addi %add3A_167, %iota3A : vector<16xi32>
      %get3A = arith.index_cast %mul3A_166 : i32 to index
      %get3A_169 = tpu.vector_load %arg10[%get3A] {strides = array<i32>} : memref<512xi32, #tpu.memory_space<vmem>>, vector<16xi32>,
      %broadcast_in_dim3A = arith.constant 0.000000e+00 : f32
      %broadcast_in_dim3A_170 = vector.broadcast %broadcast_in_dim3A : f32 to vector<16xf32>
      %broadcast_in_dim3A_171 = arith.constant 0 : i32
      %broadcast_in_dim3A_172 = vector.broadcast %broadcast_in_dim3A_171 : i32 to vector<16xi32>
      %gather3A = tpu.vector_load_idx %arg11[%add3A_168, %broadcast_in_dim3A_172] : memref<512x32xf32, #tpu.memory_space<vmem>>[vector<16xi32>, vector<16xi32>], vector<16xf32>,
      %gather3A_173 = tpu.vector_load_idx %arg12[%add3A_168, %broadcast_in_dim3A_172] : memref<512x32xf32, #tpu.memory_space<vmem>>[vector<16xi32>, vector<16xi32>], vector<16xf32>,
      %gather3A_174 = tpu.vector_load_idx %arg13[%get3A_169, %broadcast_in_dim3A_172] : memref<100x32xf32, #tpu.memory_space<vmem>>[vector<16xi32>, vector<16xi32>], vector<16xf32>,
      %mul3A_175 = arith.mulf %gather3A, %gather3A_174 : vector<16xf32>
      %mul3A_176 = arith.mulf %mul3A_175, %gather3A_173 : vector<16xf32>
      %add3A_177 = arith.addf %broadcast_in_dim3A_170, %mul3A_176 : vector<16xf32>
      %broadcast_in_dim3A_178 = arith.constant 1 : i32
      %broadcast_in_dim3A_179 = vector.broadcast %broadcast_in_dim3A_178 : i32 to vector<16xi32>
      %gather3A_180 = tpu.vector_load_idx %arg11[%add3A_168, %broadcast_in_dim3A_179] : memref<512x32xf32, #tpu.memory_space<vmem>>[vector<16xi32>, vector<16xi32>], vector<16xf32>,
      %gather3A_181 = tpu.vector_load_idx %arg12[%add3A_168, %broadcast_in_dim3A_179] : memref<512x32xf32, #tpu.memory_space<vmem>>[vector<16xi32>, vector<16xi32>], vector<16xf32>,
      %gather3A_182 = tpu.vector_load_idx %arg13[%get3A_169, %broadcast_in_dim3A_179] : memref<100x32xf32, #tpu.memory_space<vmem>>[vector<16xi32>, vector<16xi32>], vector<16xf32>,
      %mul3A_183 = arith.mulf %gather3A_180, %gather3A_182 : vector<16xf32>
      %mul3A_184 = arith.mulf %mul3A_183, %gather3A_181 : vector<16xf32>
      %add3A_185 = arith.addf %add3A_177, %mul3A_184 : vector<16xf32>
      %broadcast_in_dim3A_186 = arith.constant 2 : i32
      %broadcast_in_dim3A_187 = vector.broadcast %broadcast_in_dim3A_186 : i32 to vector<16xi32>
      %gather3A_188 = tpu.vector_load_idx %arg11[%add3A_168, %broadcast_in_dim3A_187] : memref<512x32xf32, #tpu.memory_space<vmem>>[vector<16xi32>, vector<16xi32>], vector<16xf32>,
      %gather3A_189 = tpu.vector_load_idx %arg12[%add3A_168, %broadcast_in_dim3A_187] : memref<512x32xf32, #tpu.memory_space<vmem>>[vector<16xi32>, vector<16xi32>], vector<16xf32>,
      %gather3A_190 = tpu.vector_load_idx %arg13[%get3A_169, %broadcast_in_dim3A_187] : memref<100x32xf32, #tpu.memory_space<vmem>>[vector<16xi32>, vector<16xi32>], vector<16xf32>,
      %mul3A_191 = arith.mulf %gather3A_188, %gather3A_190 : vector<16xf32>
      %mul3A_192 = arith.mulf %mul3A_191, %gather3A_189 : vector<16xf32>
      %add3A_193 = arith.addf %add3A_185, %mul3A_192 : vector<16xf32>
      %broadcast_in_dim3A_194 = arith.constant 3 : i32
      %broadcast_in_dim3A_195 = vector.broadcast %broadcast_in_dim3A_194 : i32 to vector<16xi32>
      %gather3A_196 = tpu.vector_load_idx %arg11[%add3A_168, %broadcast_in_dim3A_195] : memref<512x32xf32, #tpu.memory_space<vmem>>[vector<16xi32>, vector<16xi32>], vector<16xf32>,
      %gather3A_197 = tpu.vector_load_idx %arg12[%add3A_168, %broadcast_in_dim3A_195] : memref<512x32xf32, #tpu.memory_space<vmem>>[vector<16xi32>, vector<16xi32>], vector<16xf32>,
      %gather3A_198 = tpu.vector_load_idx %arg13[%get3A_169, %broadcast_in_dim3A_195] : memref<100x32xf32, #tpu.memory_space<vmem>>[vector<16xi32>, vector<16xi32>], vector<16xf32>,
      %mul3A_199 = arith.mulf %gather3A_196, %gather3A_198 : vector<16xf32>
      %mul3A_200 = arith.mulf %mul3A_199, %gather3A_197 : vector<16xf32>
      %add3A_201 = arith.addf %add3A_193, %mul3A_200 : vector<16xf32>
      %broadcast_in_dim3A_202 = arith.constant 4 : i32
      %broadcast_in_dim3A_203 = vector.broadcast %broadcast_in_dim3A_202 : i32 to vector<16xi32>
      %gather3A_204 = tpu.vector_load_idx %arg11[%add3A_168, %broadcast_in_dim3A_203] : memref<512x32xf32, #tpu.memory_space<vmem>>[vector<16xi32>, vector<16xi32>], vector<16xf32>,
      %gather3A_205 = tpu.vector_load_idx %arg12[%add3A_168, %broadcast_in_dim3A_203] : memref<512x32xf32, #tpu.memory_space<vmem>>[vector<16xi32>, vector<16xi32>], vector<16xf32>,
      %gather3A_206 = tpu.vector_load_idx %arg13[%get3A_169, %broadcast_in_dim3A_203] : memref<100x32xf32, #tpu.memory_space<vmem>>[vector<16xi32>, vector<16xi32>], vector<16xf32>,
      %mul3A_207 = arith.mulf %gather3A_204, %gather3A_206 : vector<16xf32>
      %mul3A_208 = arith.mulf %mul3A_207, %gather3A_205 : vector<16xf32>
      %add3A_209 = arith.addf %add3A_201, %mul3A_208 : vector<16xf32>
      %broadcast_in_dim3A_210 = arith.constant 5 : i32
      %broadcast_in_dim3A_211 = vector.broadcast %broadcast_in_dim3A_210 : i32 to vector<16xi32>
      %gather3A_212 = tpu.vector_load_idx %arg11[%add3A_168, %broadcast_in_dim3A_211] : memref<512x32xf32, #tpu.memory_space<vmem>>[vector<16xi32>, vector<16xi32>], vector<16xf32>,
      %gather3A_213 = tpu.vector_load_idx %arg12[%add3A_168, %broadcast_in_dim3A_211] : memref<512x32xf32, #tpu.memory_space<vmem>>[vector<16xi32>, vector<16xi32>], vector<16xf32>,
      %gather3A_214 = tpu.vector_load_idx %arg13[%get3A_169, %broadcast_in_dim3A_211] : memref<100x32xf32, #tpu.memory_space<vmem>>[vector<16xi32>, vector<16xi32>], vector<16xf32>,
      %mul3A_215 = arith.mulf %gather3A_212, %gather3A_214 : vector<16xf32>
      %mul3A_216 = arith.mulf %mul3A_215, %gather3A_213 : vector<16xf32>
      %add3A_217 = arith.addf %add3A_209, %mul3A_216 : vector<16xf32>
      %broadcast_in_dim3A_218 = arith.constant 6 : i32
      %broadcast_in_dim3A_219 = vector.broadcast %broadcast_in_dim3A_218 : i32 to vector<16xi32>
      %gather3A_220 = tpu.vector_load_idx %arg11[%add3A_168, %broadcast_in_dim3A_219] : memref<512x32xf32, #tpu.memory_space<vmem>>[vector<16xi32>, vector<16xi32>], vector<16xf32>,
      %gather3A_221 = tpu.vector_load_idx %arg12[%add3A_168, %broadcast_in_dim3A_219] : memref<512x32xf32, #tpu.memory_space<vmem>>[vector<16xi32>, vector<16xi32>], vector<16xf32>,
      %gather3A_222 = tpu.vector_load_idx %arg13[%get3A_169, %broadcast_in_dim3A_219] : memref<100x32xf32, #tpu.memory_space<vmem>>[vector<16xi32>, vector<16xi32>], vector<16xf32>,
      %mul3A_223 = arith.mulf %gather3A_220, %gather3A_222 : vector<16xf32>
      %mul3A_224 = arith.mulf %mul3A_223, %gather3A_221 : vector<16xf32>
      %add3A_225 = arith.addf %add3A_217, %mul3A_224 : vector<16xf32>
      %broadcast_in_dim3A_226 = arith.constant 7 : i32
      %broadcast_in_dim3A_227 = vector.broadcast %broadcast_in_dim3A_226 : i32 to vector<16xi32>
      %gather3A_228 = tpu.vector_load_idx %arg11[%add3A_168, %broadcast_in_dim3A_227] : memref<512x32xf32, #tpu.memory_space<vmem>>[vector<16xi32>, vector<16xi32>], vector<16xf32>,
      %gather3A_229 = tpu.vector_load_idx %arg12[%add3A_168, %broadcast_in_dim3A_227] : memref<512x32xf32, #tpu.memory_space<vmem>>[vector<16xi32>, vector<16xi32>], vector<16xf32>,
      %gather3A_230 = tpu.vector_load_idx %arg13[%get3A_169, %broadcast_in_dim3A_227] : memref<100x32xf32, #tpu.memory_space<vmem>>[vector<16xi32>, vector<16xi32>], vector<16xf32>,
      %mul3A_231 = arith.mulf %gather3A_228, %gather3A_230 : vector<16xf32>
      %mul3A_232 = arith.mulf %mul3A_231, %gather3A_229 : vector<16xf32>
      %add3A_233 = arith.addf %add3A_225, %mul3A_232 : vector<16xf32>
      %broadcast_in_dim3A_234 = arith.constant 8 : i32
      %broadcast_in_dim3A_235 = vector.broadcast %broadcast_in_dim3A_234 : i32 to vector<16xi32>
      %gather3A_236 = tpu.vector_load_idx %arg11[%add3A_168, %broadcast_in_dim3A_235] : memref<512x32xf32, #tpu.memory_space<vmem>>[vector<16xi32>, vector<16xi32>], vector<16xf32>,
      %gather3A_237 = tpu.vector_load_idx %arg12[%add3A_168, %broadcast_in_dim3A_235] : memref<512x32xf32, #tpu.memory_space<vmem>>[vector<16xi32>, vector<16xi32>], vector<16xf32>,
      %gather3A_238 = tpu.vector_load_idx %arg13[%get3A_169, %broadcast_in_dim3A_235] : memref<100x32xf32, #tpu.memory_space<vmem>>[vector<16xi32>, vector<16xi32>], vector<16xf32>,
      %mul3A_239 = arith.mulf %gather3A_236, %gather3A_238 : vector<16xf32>
      %mul3A_240 = arith.mulf %mul3A_239, %gather3A_237 : vector<16xf32>
      %add3A_241 = arith.addf %add3A_233, %mul3A_240 : vector<16xf32>
      %broadcast_in_dim3A_242 = arith.constant 9 : i32
      %broadcast_in_dim3A_243 = vector.broadcast %broadcast_in_dim3A_242 : i32 to vector<16xi32>
      %gather3A_244 = tpu.vector_load_idx %arg11[%add3A_168, %broadcast_in_dim3A_243] : memref<512x32xf32, #tpu.memory_space<vmem>>[vector<16xi32>, vector<16xi32>], vector<16xf32>,
      %gather3A_245 = tpu.vector_load_idx %arg12[%add3A_168, %broadcast_in_dim3A_243] : memref<512x32xf32, #tpu.memory_space<vmem>>[vector<16xi32>, vector<16xi32>], vector<16xf32>,
      %gather3A_246 = tpu.vector_load_idx %arg13[%get3A_169, %broadcast_in_dim3A_243] : memref<100x32xf32, #tpu.memory_space<vmem>>[vector<16xi32>, vector<16xi32>], vector<16xf32>,
      %mul3A_247 = arith.mulf %gather3A_244, %gather3A_246 : vector<16xf32>
      %mul3A_248 = arith.mulf %mul3A_247, %gather3A_245 : vector<16xf32>
      %add3A_249 = arith.addf %add3A_241, %mul3A_248 : vector<16xf32>
      %broadcast_in_dim3A_250 = arith.constant 10 : i32
      %broadcast_in_dim3A_251 = vector.broadcast %broadcast_in_dim3A_250 : i32 to vector<16xi32>
      %gather3A_252 = tpu.vector_load_idx %arg11[%add3A_168, %broadcast_in_dim3A_251] : memref<512x32xf32, #tpu.memory_space<vmem>>[vector<16xi32>, vector<16xi32>], vector<16xf32>,
      %gather3A_253 = tpu.vector_load_idx %arg12[%add3A_168, %broadcast_in_dim3A_251] : memref<512x32xf32, #tpu.memory_space<vmem>>[vector<16xi32>, vector<16xi32>], vector<16xf32>,
      %gather3A_254 = tpu.vector_load_idx %arg13[%get3A_169, %broadcast_in_dim3A_251] : memref<100x32xf32, #tpu.memory_space<vmem>>[vector<16xi32>, vector<16xi32>], vector<16xf32>,
      %mul3A_255 = arith.mulf %gather3A_252, %gather3A_254 : vector<16xf32>
      %mul3A_256 = arith.mulf %mul3A_255, %gather3A_253 : vector<16xf32>
      %add3A_257 = arith.addf %add3A_249, %mul3A_256 : vector<16xf32>
      %broadcast_in_dim3A_258 = arith.constant 11 : i32
      %broadcast_in_dim3A_259 = vector.broadcast %broadcast_in_dim3A_258 : i32 to vector<16xi32>
      %gather3A_260 = tpu.vector_load_idx %arg11[%add3A_168, %broadcast_in_dim3A_259] : memref<512x32xf32, #tpu.memory_space<vmem>>[vector<16xi32>, vector<16xi32>], vector<16xf32>,
      %gather3A_261 = tpu.vector_load_idx %arg12[%add3A_168, %broadcast_in_dim3A_259] : memref<512x32xf32, #tpu.memory_space<vmem>>[vector<16xi32>, vector<16xi32>], vector<16xf32>,
      %gather3A_262 = tpu.vector_load_idx %arg13[%get3A_169, %broadcast_in_dim3A_259] : memref<100x32xf32, #tpu.memory_space<vmem>>[vector<16xi32>, vector<16xi32>], vector<16xf32>,
      %mul3A_263 = arith.mulf %gather3A_260, %gather3A_262 : vector<16xf32>
      %mul3A_264 = arith.mulf %mul3A_263, %gather3A_261 : vector<16xf32>
      %add3A_265 = arith.addf %add3A_257, %mul3A_264 : vector<16xf32>
      %broadcast_in_dim3A_266 = arith.constant 12 : i32
      %broadcast_in_dim3A_267 = vector.broadcast %broadcast_in_dim3A_266 : i32 to vector<16xi32>
      %gather3A_268 = tpu.vector_load_idx %arg11[%add3A_168, %broadcast_in_dim3A_267] : memref<512x32xf32, #tpu.memory_space<vmem>>[vector<16xi32>, vector<16xi32>], vector<16xf32>,
      %gather3A_269 = tpu.vector_load_idx %arg12[%add3A_168, %broadcast_in_dim3A_267] : memref<512x32xf32, #tpu.memory_space<vmem>>[vector<16xi32>, vector<16xi32>], vector<16xf32>,
      %gather3A_270 = tpu.vector_load_idx %arg13[%get3A_169, %broadcast_in_dim3A_267] : memref<100x32xf32, #tpu.memory_space<vmem>>[vector<16xi32>, vector<16xi32>], vector<16xf32>,
      %mul3A_271 = arith.mulf %gather3A_268, %gather3A_270 : vector<16xf32>
      %mul3A_272 = arith.mulf %mul3A_271, %gather3A_269 : vector<16xf32>
      %add3A_273 = arith.addf %add3A_265, %mul3A_272 : vector<16xf32>
      %broadcast_in_dim3A_274 = arith.constant 13 : i32
      %broadcast_in_dim3A_275 = vector.broadcast %broadcast_in_dim3A_274 : i32 to vector<16xi32>
      %gather3A_276 = tpu.vector_load_idx %arg11[%add3A_168, %broadcast_in_dim3A_275] : memref<512x32xf32, #tpu.memory_space<vmem>>[vector<16xi32>, vector<16xi32>], vector<16xf32>,
      %gather3A_277 = tpu.vector_load_idx %arg12[%add3A_168, %broadcast_in_dim3A_275] : memref<512x32xf32, #tpu.memory_space<vmem>>[vector<16xi32>, vector<16xi32>], vector<16xf32>,
      %gather3A_278 = tpu.vector_load_idx %arg13[%get3A_169, %broadcast_in_dim3A_275] : memref<100x32xf32, #tpu.memory_space<vmem>>[vector<16xi32>, vector<16xi32>], vector<16xf32>,
      %mul3A_279 = arith.mulf %gather3A_276, %gather3A_278 : vector<16xf32>
      %mul3A_280 = arith.mulf %mul3A_279, %gather3A_277 : vector<16xf32>
      %add3A_281 = arith.addf %add3A_273, %mul3A_280 : vector<16xf32>
      %broadcast_in_dim3A_282 = arith.constant 14 : i32
      %broadcast_in_dim3A_283 = vector.broadcast %broadcast_in_dim3A_282 : i32 to vector<16xi32>
      %gather3A_284 = tpu.vector_load_idx %arg11[%add3A_168, %broadcast_in_dim3A_283] : memref<512x32xf32, #tpu.memory_space<vmem>>[vector<16xi32>, vector<16xi32>], vector<16xf32>,
      %gather3A_285 = tpu.vector_load_idx %arg12[%add3A_168, %broadcast_in_dim3A_283] : memref<512x32xf32, #tpu.memory_space<vmem>>[vector<16xi32>, vector<16xi32>], vector<16xf32>,
      %gather3A_286 = tpu.vector_load_idx %arg13[%get3A_169, %broadcast_in_dim3A_283] : memref<100x32xf32, #tpu.memory_space<vmem>>[vector<16xi32>, vector<16xi32>], vector<16xf32>,
      %mul3A_287 = arith.mulf %gather3A_284, %gather3A_286 : vector<16xf32>
      %mul3A_288 = arith.mulf %mul3A_287, %gather3A_285 : vector<16xf32>
      %add3A_289 = arith.addf %add3A_281, %mul3A_288 : vector<16xf32>
      %broadcast_in_dim3A_290 = arith.constant 15 : i32
      %broadcast_in_dim3A_291 = vector.broadcast %broadcast_in_dim3A_290 : i32 to vector<16xi32>
      %gather3A_292 = tpu.vector_load_idx %arg11[%add3A_168, %broadcast_in_dim3A_291] : memref<512x32xf32, #tpu.memory_space<vmem>>[vector<16xi32>, vector<16xi32>], vector<16xf32>,
      %gather3A_293 = tpu.vector_load_idx %arg12[%add3A_168, %broadcast_in_dim3A_291] : memref<512x32xf32, #tpu.memory_space<vmem>>[vector<16xi32>, vector<16xi32>], vector<16xf32>,
      %gather3A_294 = tpu.vector_load_idx %arg13[%get3A_169, %broadcast_in_dim3A_291] : memref<100x32xf32, #tpu.memory_space<vmem>>[vector<16xi32>, vector<16xi32>], vector<16xf32>,
      %mul3A_295 = arith.mulf %gather3A_292, %gather3A_294 : vector<16xf32>
      %mul3A_296 = arith.mulf %mul3A_295, %gather3A_293 : vector<16xf32>
      %add3A_297 = arith.addf %add3A_289, %mul3A_296 : vector<16xf32>
      %broadcast_in_dim3A_298 = arith.constant 16 : i32
      %broadcast_in_dim3A_299 = vector.broadcast %broadcast_in_dim3A_298 : i32 to vector<16xi32>
      %gather3A_300 = tpu.vector_load_idx %arg11[%add3A_168, %broadcast_in_dim3A_299] : memref<512x32xf32, #tpu.memory_space<vmem>>[vector<16xi32>, vector<16xi32>], vector<16xf32>,
      %gather3A_301 = tpu.vector_load_idx %arg12[%add3A_168, %broadcast_in_dim3A_299] : memref<512x32xf32, #tpu.memory_space<vmem>>[vector<16xi32>, vector<16xi32>], vector<16xf32>,
      %gather3A_302 = tpu.vector_load_idx %arg13[%get3A_169, %broadcast_in_dim3A_299] : memref<100x32xf32, #tpu.memory_space<vmem>>[vector<16xi32>, vector<16xi32>], vector<16xf32>,
      %mul3A_303 = arith.mulf %gather3A_300, %gather3A_302 : vector<16xf32>
      %mul3A_304 = arith.mulf %mul3A_303, %gather3A_301 : vector<16xf32>
      %add3A_305 = arith.addf %add3A_297, %mul3A_304 : vector<16xf32>
      %broadcast_in_dim3A_306 = arith.constant 17 : i32
      %broadcast_in_dim3A_307 = vector.broadcast %broadcast_in_dim3A_306 : i32 to vector<16xi32>
      %gather3A_308 = tpu.vector_load_idx %arg11[%add3A_168, %broadcast_in_dim3A_307] : memref<512x32xf32, #tpu.memory_space<vmem>>[vector<16xi32>, vector<16xi32>], vector<16xf32>,
      %gather3A_309 = tpu.vector_load_idx %arg12[%add3A_168, %broadcast_in_dim3A_307] : memref<512x32xf32, #tpu.memory_space<vmem>>[vector<16xi32>, vector<16xi32>], vector<16xf32>,
      %gather3A_310 = tpu.vector_load_idx %arg13[%get3A_169, %broadcast_in_dim3A_307] : memref<100x32xf32, #tpu.memory_space<vmem>>[vector<16xi32>, vector<16xi32>], vector<16xf32>,
      %mul3A_311 = arith.mulf %gather3A_308, %gather3A_310 : vector<16xf32>
      %mul3A_312 = arith.mulf %mul3A_311, %gather3A_309 : vector<16xf32>
      %add3A_313 = arith.addf %add3A_305, %mul3A_312 : vector<16xf32>
      %broadcast_in_dim3A_314 = arith.constant 18 : i32
      %broadcast_in_dim3A_315 = vector.broadcast %broadcast_in_dim3A_314 : i32 to vector<16xi32>
      %gather3A_316 = tpu.vector_load_idx %arg11[%add3A_168, %broadcast_in_dim3A_315] : memref<512x32xf32, #tpu.memory_space<vmem>>[vector<16xi32>, vector<16xi32>], vector<16xf32>,
      %gather3A_317 = tpu.vector_load_idx %arg12[%add3A_168, %broadcast_in_dim3A_315] : memref<512x32xf32, #tpu.memory_space<vmem>>[vector<16xi32>, vector<16xi32>], vector<16xf32>,
      %gather3A_318 = tpu.vector_load_idx %arg13[%get3A_169, %broadcast_in_dim3A_315] : memref<100x32xf32, #tpu.memory_space<vmem>>[vector<16xi32>, vector<16xi32>], vector<16xf32>,
      %mul3A_319 = arith.mulf %gather3A_316, %gather3A_318 : vector<16xf32>
      %mul3A_320 = arith.mulf %mul3A_319, %gather3A_317 : vector<16xf32>
      %add3A_321 = arith.addf %add3A_313, %mul3A_320 : vector<16xf32>
      %broadcast_in_dim3A_322 = arith.constant 19 : i32
      %broadcast_in_dim3A_323 = vector.broadcast %broadcast_in_dim3A_322 : i32 to vector<16xi32>
      %gather3A_324 = tpu.vector_load_idx %arg11[%add3A_168, %broadcast_in_dim3A_323] : memref<512x32xf32, #tpu.memory_space<vmem>>[vector<16xi32>, vector<16xi32>], vector<16xf32>,
      %gather3A_325 = tpu.vector_load_idx %arg12[%add3A_168, %broadcast_in_dim3A_323] : memref<512x32xf32, #tpu.memory_space<vmem>>[vector<16xi32>, vector<16xi32>], vector<16xf32>,
      %gather3A_326 = tpu.vector_load_idx %arg13[%get3A_169, %broadcast_in_dim3A_323] : memref<100x32xf32, #tpu.memory_space<vmem>>[vector<16xi32>, vector<16xi32>], vector<16xf32>,
      %mul3A_327 = arith.mulf %gather3A_324, %gather3A_326 : vector<16xf32>
      %mul3A_328 = arith.mulf %mul3A_327, %gather3A_325 : vector<16xf32>
      %add3A_329 = arith.addf %add3A_321, %mul3A_328 : vector<16xf32>
      %broadcast_in_dim3A_330 = arith.constant 20 : i32
      %broadcast_in_dim3A_331 = vector.broadcast %broadcast_in_dim3A_330 : i32 to vector<16xi32>
      %gather3A_332 = tpu.vector_load_idx %arg11[%add3A_168, %broadcast_in_dim3A_331] : memref<512x32xf32, #tpu.memory_space<vmem>>[vector<16xi32>, vector<16xi32>], vector<16xf32>,
      %gather3A_333 = tpu.vector_load_idx %arg12[%add3A_168, %broadcast_in_dim3A_331] : memref<512x32xf32, #tpu.memory_space<vmem>>[vector<16xi32>, vector<16xi32>], vector<16xf32>,
      %gather3A_334 = tpu.vector_load_idx %arg13[%get3A_169, %broadcast_in_dim3A_331] : memref<100x32xf32, #tpu.memory_space<vmem>>[vector<16xi32>, vector<16xi32>], vector<16xf32>,
      %mul3A_335 = arith.mulf %gather3A_332, %gather3A_334 : vector<16xf32>
      %mul3A_336 = arith.mulf %mul3A_335, %gather3A_333 : vector<16xf32>
      %add3A_337 = arith.addf %add3A_329, %mul3A_336 : vector<16xf32>
      %broadcast_in_dim3A_338 = arith.constant 21 : i32
      %broadcast_in_dim3A_339 = vector.broadcast %broadcast_in_dim3A_338 : i32 to vector<16xi32>
      %gather3A_340 = tpu.vector_load_idx %arg11[%add3A_168, %broadcast_in_dim3A_339] : memref<512x32xf32, #tpu.memory_space<vmem>>[vector<16xi32>, vector<16xi32>], vector<16xf32>,
      %gather3A_341 = tpu.vector_load_idx %arg12[%add3A_168, %broadcast_in_dim3A_339] : memref<512x32xf32, #tpu.memory_space<vmem>>[vector<16xi32>, vector<16xi32>], vector<16xf32>,
      %gather3A_342 = tpu.vector_load_idx %arg13[%get3A_169, %broadcast_in_dim3A_339] : memref<100x32xf32, #tpu.memory_space<vmem>>[vector<16xi32>, vector<16xi32>], vector<16xf32>,
      %mul3A_343 = arith.mulf %gather3A_340, %gather3A_342 : vector<16xf32>
      %mul3A_344 = arith.mulf %mul3A_343, %gather3A_341 : vector<16xf32>
      %add3A_345 = arith.addf %add3A_337, %mul3A_344 : vector<16xf32>
      %broadcast_in_dim3A_346 = arith.constant 22 : i32
      %broadcast_in_dim3A_347 = vector.broadcast %broadcast_in_dim3A_346 : i32 to vector<16xi32>
      %gather3A_348 = tpu.vector_load_idx %arg11[%add3A_168, %broadcast_in_dim3A_347] : memref<512x32xf32, #tpu.memory_space<vmem>>[vector<16xi32>, vector<16xi32>], vector<16xf32>,
      %gather3A_349 = tpu.vector_load_idx %arg12[%add3A_168, %broadcast_in_dim3A_347] : memref<512x32xf32, #tpu.memory_space<vmem>>[vector<16xi32>, vector<16xi32>], vector<16xf32>,
      %gather3A_350 = tpu.vector_load_idx %arg13[%get3A_169, %broadcast_in_dim3A_347] : memref<100x32xf32, #tpu.memory_space<vmem>>[vector<16xi32>, vector<16xi32>], vector<16xf32>,
      %mul3A_351 = arith.mulf %gather3A_348, %gather3A_350 : vector<16xf32>
      %mul3A_352 = arith.mulf %mul3A_351, %gather3A_349 : vector<16xf32>
      %add3A_353 = arith.addf %add3A_345, %mul3A_352 : vector<16xf32>
      %broadcast_in_dim3A_354 = arith.constant 23 : i32
      %broadcast_in_dim3A_355 = vector.broadcast %broadcast_in_dim3A_354 : i32 to vector<16xi32>
      %gather3A_356 = tpu.vector_load_idx %arg11[%add3A_168, %broadcast_in_dim3A_355] : memref<512x32xf32, #tpu.memory_space<vmem>>[vector<16xi32>, vector<16xi32>], vector<16xf32>,
      %gather3A_357 = tpu.vector_load_idx %arg12[%add3A_168, %broadcast_in_dim3A_355] : memref<512x32xf32, #tpu.memory_space<vmem>>[vector<16xi32>, vector<16xi32>], vector<16xf32>,
      %gather3A_358 = tpu.vector_load_idx %arg13[%get3A_169, %broadcast_in_dim3A_355] : memref<100x32xf32, #tpu.memory_space<vmem>>[vector<16xi32>, vector<16xi32>], vector<16xf32>,
      %mul3A_359 = arith.mulf %gather3A_356, %gather3A_358 : vector<16xf32>
      %mul3A_360 = arith.mulf %mul3A_359, %gather3A_357 : vector<16xf32>
      %add3A_361 = arith.addf %add3A_353, %mul3A_360 : vector<16xf32>
      %broadcast_in_dim3A_362 = arith.constant 24 : i32
      %broadcast_in_dim3A_363 = vector.broadcast %broadcast_in_dim3A_362 : i32 to vector<16xi32>
      %gather3A_364 = tpu.vector_load_idx %arg11[%add3A_168, %broadcast_in_dim3A_363] : memref<512x32xf32, #tpu.memory_space<vmem>>[vector<16xi32>, vector<16xi32>], vector<16xf32>,
      %gather3A_365 = tpu.vector_load_idx %arg12[%add3A_168, %broadcast_in_dim3A_363] : memref<512x32xf32, #tpu.memory_space<vmem>>[vector<16xi32>, vector<16xi32>], vector<16xf32>,
      %gather3A_366 = tpu.vector_load_idx %arg13[%get3A_169, %broadcast_in_dim3A_363] : memref<100x32xf32, #tpu.memory_space<vmem>>[vector<16xi32>, vector<16xi32>], vector<16xf32>,
      %mul3A_367 = arith.mulf %gather3A_364, %gather3A_366 : vector<16xf32>
      %mul3A_368 = arith.mulf %mul3A_367, %gather3A_365 : vector<16xf32>
      %add3A_369 = arith.addf %add3A_361, %mul3A_368 : vector<16xf32>
      %broadcast_in_dim3A_370 = arith.constant 25 : i32
      %broadcast_in_dim3A_371 = vector.broadcast %broadcast_in_dim3A_370 : i32 to vector<16xi32>
      %gather3A_372 = tpu.vector_load_idx %arg11[%add3A_168, %broadcast_in_dim3A_371] : memref<512x32xf32, #tpu.memory_space<vmem>>[vector<16xi32>, vector<16xi32>], vector<16xf32>,
      %gather3A_373 = tpu.vector_load_idx %arg12[%add3A_168, %broadcast_in_dim3A_371] : memref<512x32xf32, #tpu.memory_space<vmem>>[vector<16xi32>, vector<16xi32>], vector<16xf32>,
      %gather3A_374 = tpu.vector_load_idx %arg13[%get3A_169, %broadcast_in_dim3A_371] : memref<100x32xf32, #tpu.memory_space<vmem>>[vector<16xi32>, vector<16xi32>], vector<16xf32>,
      %mul3A_375 = arith.mulf %gather3A_372, %gather3A_374 : vector<16xf32>
      %mul3A_376 = arith.mulf %mul3A_375, %gather3A_373 : vector<16xf32>
      %add3A_377 = arith.addf %add3A_369, %mul3A_376 : vector<16xf32>
      %broadcast_in_dim3A_378 = arith.constant 26 : i32
      %broadcast_in_dim3A_379 = vector.broadcast %broadcast_in_dim3A_378 : i32 to vector<16xi32>
      %gather3A_380 = tpu.vector_load_idx %arg11[%add3A_168, %broadcast_in_dim3A_379] : memref<512x32xf32, #tpu.memory_space<vmem>>[vector<16xi32>, vector<16xi32>], vector<16xf32>,
      %gather3A_381 = tpu.vector_load_idx %arg12[%add3A_168, %broadcast_in_dim3A_379] : memref<512x32xf32, #tpu.memory_space<vmem>>[vector<16xi32>, vector<16xi32>], vector<16xf32>,
      %gather3A_382 = tpu.vector_load_idx %arg13[%get3A_169, %broadcast_in_dim3A_379] : memref<100x32xf32, #tpu.memory_space<vmem>>[vector<16xi32>, vector<16xi32>], vector<16xf32>,
      %mul3A_383 = arith.mulf %gather3A_380, %gather3A_382 : vector<16xf32>
      %mul3A_384 = arith.mulf %mul3A_383, %gather3A_381 : vector<16xf32>
      %add3A_385 = arith.addf %add3A_377, %mul3A_384 : vector<16xf32>
      %broadcast_in_dim3A_386 = arith.constant 27 : i32
      %broadcast_in_dim3A_387 = vector.broadcast %broadcast_in_dim3A_386 : i32 to vector<16xi32>
      %gather3A_388 = tpu.vector_load_idx %arg11[%add3A_168, %broadcast_in_dim3A_387] : memref<512x32xf32, #tpu.memory_space<vmem>>[vector<16xi32>, vector<16xi32>], vector<16xf32>,
      %gather3A_389 = tpu.vector_load_idx %arg12[%add3A_168, %broadcast_in_dim3A_387] : memref<512x32xf32, #tpu.memory_space<vmem>>[vector<16xi32>, vector<16xi32>], vector<16xf32>,
      %gather3A_390 = tpu.vector_load_idx %arg13[%get3A_169, %broadcast_in_dim3A_387] : memref<100x32xf32, #tpu.memory_space<vmem>>[vector<16xi32>, vector<16xi32>], vector<16xf32>,
      %mul3A_391 = arith.mulf %gather3A_388, %gather3A_390 : vector<16xf32>
      %mul3A_392 = arith.mulf %mul3A_391, %gather3A_389 : vector<16xf32>
      %add3A_393 = arith.addf %add3A_385, %mul3A_392 : vector<16xf32>
      %broadcast_in_dim3A_394 = arith.constant 28 : i32
      %broadcast_in_dim3A_395 = vector.broadcast %broadcast_in_dim3A_394 : i32 to vector<16xi32>
      %gather3A_396 = tpu.vector_load_idx %arg11[%add3A_168, %broadcast_in_dim3A_395] : memref<512x32xf32, #tpu.memory_space<vmem>>[vector<16xi32>, vector<16xi32>], vector<16xf32>,
      %gather3A_397 = tpu.vector_load_idx %arg12[%add3A_168, %broadcast_in_dim3A_395] : memref<512x32xf32, #tpu.memory_space<vmem>>[vector<16xi32>, vector<16xi32>], vector<16xf32>,
      %gather3A_398 = tpu.vector_load_idx %arg13[%get3A_169, %broadcast_in_dim3A_395] : memref<100x32xf32, #tpu.memory_space<vmem>>[vector<16xi32>, vector<16xi32>], vector<16xf32>,
      %mul3A_399 = arith.mulf %gather3A_396, %gather3A_398 : vector<16xf32>
      %mul3A_400 = arith.mulf %mul3A_399, %gather3A_397 : vector<16xf32>
      %add3A_401 = arith.addf %add3A_393, %mul3A_400 : vector<16xf32>
      %broadcast_in_dim3A_402 = arith.constant 29 : i32
      %broadcast_in_dim3A_403 = vector.broadcast %broadcast_in_dim3A_402 : i32 to vector<16xi32>
      %gather3A_404 = tpu.vector_load_idx %arg11[%add3A_168, %broadcast_in_dim3A_403] : memref<512x32xf32, #tpu.memory_space<vmem>>[vector<16xi32>, vector<16xi32>], vector<16xf32>,
      %gather3A_405 = tpu.vector_load_idx %arg12[%add3A_168, %broadcast_in_dim3A_403] : memref<512x32xf32, #tpu.memory_space<vmem>>[vector<16xi32>, vector<16xi32>], vector<16xf32>,
      %gather3A_406 = tpu.vector_load_idx %arg13[%get3A_169, %broadcast_in_dim3A_403] : memref<100x32xf32, #tpu.memory_space<vmem>>[vector<16xi32>, vector<16xi32>], vector<16xf32>,
      %mul3A_407 = arith.mulf %gather3A_404, %gather3A_406 : vector<16xf32>
      %mul3A_408 = arith.mulf %mul3A_407, %gather3A_405 : vector<16xf32>
      %add3A_409 = arith.addf %add3A_401, %mul3A_408 : vector<16xf32>
      %broadcast_in_dim3A_410 = arith.constant 30 : i32
      %broadcast_in_dim3A_411 = vector.broadcast %broadcast_in_dim3A_410 : i32 to vector<16xi32>
      %gather3A_412 = tpu.vector_load_idx %arg11[%add3A_168, %broadcast_in_dim3A_411] : memref<512x32xf32, #tpu.memory_space<vmem>>[vector<16xi32>, vector<16xi32>], vector<16xf32>,
      %gather3A_413 = tpu.vector_load_idx %arg12[%add3A_168, %broadcast_in_dim3A_411] : memref<512x32xf32, #tpu.memory_space<vmem>>[vector<16xi32>, vector<16xi32>], vector<16xf32>,
      %gather3A_414 = tpu.vector_load_idx %arg13[%get3A_169, %broadcast_in_dim3A_411] : memref<100x32xf32, #tpu.memory_space<vmem>>[vector<16xi32>, vector<16xi32>], vector<16xf32>,
      %mul3A_415 = arith.mulf %gather3A_412, %gather3A_414 : vector<16xf32>
      %mul3A_416 = arith.mulf %mul3A_415, %gather3A_413 : vector<16xf32>
      %add3A_417 = arith.addf %add3A_409, %mul3A_416 : vector<16xf32>
      %broadcast_in_dim3A_418 = arith.constant 31 : i32
      %broadcast_in_dim3A_419 = vector.broadcast %broadcast_in_dim3A_418 : i32 to vector<16xi32>
      %gather3A_420 = tpu.vector_load_idx %arg11[%add3A_168, %broadcast_in_dim3A_419] : memref<512x32xf32, #tpu.memory_space<vmem>>[vector<16xi32>, vector<16xi32>], vector<16xf32>,
      %gather3A_421 = tpu.vector_load_idx %arg12[%add3A_168, %broadcast_in_dim3A_419] : memref<512x32xf32, #tpu.memory_space<vmem>>[vector<16xi32>, vector<16xi32>], vector<16xf32>,
      %gather3A_422 = tpu.vector_load_idx %arg13[%get3A_169, %broadcast_in_dim3A_419] : memref<100x32xf32, #tpu.memory_space<vmem>>[vector<16xi32>, vector<16xi32>], vector<16xf32>,
      %mul3A_423 = arith.mulf %gather3A_420, %gather3A_422 : vector<16xf32>
      %mul3A_424 = arith.mulf %mul3A_423, %gather3A_421 : vector<16xf32>
      %add3A_425 = arith.addf %add3A_417, %mul3A_424 : vector<16xf32>
      %swap3A = arith.index_cast %mul3A_166 : i32 to index
      %swap3A_426 = tpu.vector_load %arg14[%swap3A] {strides = array<i32>} : memref<512xf32, #tpu.memory_space<vmem>>, vector<16xf32>,
      tpu.vector_store %arg14[%swap3A], %add3A_425 {strides = array<i32>} : memref<512xf32, #tpu.memory_space<vmem>>, vector<16xf32>,
    }
    %scan3A_163 = arith.constant 32 : i32
    "tpu.region"() ({
      %run_scoped3A = tpu.sem_alloc : memref<!tpu.dma_semaphore, #tpu.memory_space<semaphore_mem>>
      %dma_start3A_164 = arith.constant 0 : i32
      %dma_start3A_165 = tpu.memref_slice %arg7[%add3A, %dma_start3A_164] : memref<32x512xf32, #tpu.memory_space<hbm>> -> memref<1x512xf32, #tpu.memory_space<hbm>>
      %dma_start3A_166 = tpu.memref_squeeze %dma_start3A_165 : memref<1x512xf32, #tpu.memory_space<hbm>> -> memref<512xf32, #tpu.memory_space<hbm>>
      %dma_start3A_167 = arith.constant 0 : i32
      %dma_start3A_168 = tpu.memref_slice %arg7[%add3A, %dma_start3A_167] : memref<32x512xf32, #tpu.memory_space<hbm>> -> memref<1x512xf32, #tpu.memory_space<hbm>>
      %dma_start3A_169 = tpu.memref_squeeze %dma_start3A_168 : memref<1x512xf32, #tpu.memory_space<hbm>> -> memref<512xf32, #tpu.memory_space<hbm>>
      tpu.enqueue_dma source(%arg14 : memref<512xf32, #tpu.memory_space<vmem>>) target(%dma_start3A_169 : memref<512xf32, #tpu.memory_space<hbm>>) target_semaphore(%run_scoped3A : memref<!tpu.dma_semaphore, #tpu.memory_space<semaphore_mem>>)
      %dma_wait3A_170 = arith.constant 0 : i32
      %dma_wait3A_171 = tpu.memref_slice %arg7[%add3A, %dma_wait3A_170] : memref<32x512xf32, #tpu.memory_space<hbm>> -> memref<1x512xf32, #tpu.memory_space<hbm>>
      %dma_wait3A_172 = tpu.memref_squeeze %dma_wait3A_171 : memref<1x512xf32, #tpu.memory_space<hbm>> -> memref<512xf32, #tpu.memory_space<hbm>>
      %dma_wait3A_173 = arith.constant 0 : i32
      %dma_wait3A_174 = tpu.memref_slice %arg7[%add3A, %dma_wait3A_173] : memref<32x512xf32, #tpu.memory_space<hbm>> -> memref<1x512xf32, #tpu.memory_space<hbm>>
      %dma_wait3A_175 = tpu.memref_squeeze %dma_wait3A_174 : memref<1x512xf32, #tpu.memory_space<hbm>> -> memref<512xf32, #tpu.memory_space<hbm>>
      tpu.wait_dma2 semaphore(%run_scoped3A : memref<!tpu.dma_semaphore, #tpu.memory_space<semaphore_mem>>) src(%arg14 : memref<512xf32, #tpu.memory_space<vmem>>) dst(%dma_wait3A_175 : memref<512xf32, #tpu.memory_space<hbm>>)
      tpu.yield
    }) : () -> ()
    return
  }
}

</mosaic_0001>

<sc_bundles>
// kernel: kernel.3.cloned.1.call-start
scs
__scs_entry_jumppad:
0x0: {  	(pc) =	sbr.rel $0x88, $3  }
0x1: {  	(tag) =	ssettag $0x0;
	lr =	simm.s32 $0x1  }
0x2: {  	[smem:$0x3F9E] =	sst lr;
	_ =	strace $0xD0000000  }
0x3: {  	_ = 	snop  }
0x4: {  	_ = 	snop  }
0x5: {  	_ = 	snop  }
0x6: {  	_ = 	snop  }
0x7: {  	_ = 	snop  }
__scs_overlays_trampoline_lowered:
0x8: {  	[smem:$0x3FAD] =	sst s0  }
0x9: {  	[smem:$0x3FAE] =	sst s1  }
0xa: {  	[smem:$0x3FAF] =	sst s2  }
0xb: {  	[smem:$0x3FB0] =	sst s3  }
0xc: {  	[smem:$0x3FB1] =	sst s4  }
0xd: {  	[smem:$0x3FB2] =	sst s5  }
0xe: {  	[smem:$0x3FB3] =	sst s6  }
0xf: {  	[smem:$0x3FB4] =	sst s7  }
0x10: {  	[smem:$0x3FB5] =	sst s8  }
0x11: {  	[smem:$0x3FB6] =	sst s9;
	s0 =	simm.s32 @!p0 $0x0  }
0x12: {  	s1 =	sld [smem:$0x3F9C];
	s0 =	simm.s32 @p0 $0x1  }
0x13: {  	[smem:$0x3FB7] =	sst s0;
	s0 =	simm.s32 @!p1 $0x0  }
0x14: {  	s2 =	sld [smem:$0x3F9B];
	s0 =	simm.s32 @p1 $0x1  }
0x15: {  	[smem:$0x3FB8] =	sst s0;
	s0 =	simm.s32 @!p2 $0x0  }
0x16: {  	s3 =	sld [smem:$0x3FDB];
	s0 =	simm.s32 @p2 $0x1  }
0x17: {  	s4 =	simm.s32 $0x1BF5;
	[smem:$0x3FBA] =	sst s0  }
0x18: {  	s0 =	sld [smem:$0x3F9D];
	_ =	swait.ge [sflag:s4], $0x0  }
0x19: {  	s7 =	sld [smem:$0x3F9E]  }
0x1a: {  	s8 =	sadd.s32 $0xFFFFE003, lr  }
0x1b: {  	s9 =	sadd.s32 $0xFFFFFEF7, lr;
	s5 =	simm.s32 $0xFFFFFFFF;
	p2 =	slt.u32 s8, $0xFFFFF086  }
0x1c: {  	p1 =	slt.u32 s9, $0xF7A;
	s5 =	simm.s32 @!p2 $0x0  }
0x1d: {  	s5 =	simm.s32 @p1 $0x1;
	p0 =	seq.s32 s7, s2  }
0x1e: {  	s7 =	smul.u32 @!p0 $0xF7A, s2;
	p2 =	seq.s32 @!p0 s5, $0x0  }
0x1f: {  	s9 =	smul.u32 $0xF7A, s1;
	s8 =	simm.s32 @!p0 $0x1BF5;
	p2 =	por !p2, p0  }
0x20: {  	[sflag:s8] =	ssyncset.s32 @!p0 $0xFFFFF086;
	s6 =	sadd.s32 @!p0 s3, s7;
	s7 =	simm.s32 @!p0 $0x108  }
0x21: {  	s3 =	sadd.s32 s3, s9;
	s6 =	sadd.s32 @!p0 $0x88, s6;
	s7 =	simm.s32 @p2 $0x1082  }
0x22: {  	[simem:s7], [sflag:s8] =	dma.local @!p0 [hbm:s6], $0xF7A  }
0x23: {  	s9 =	sor.u32 $0xD0000000, s2;
	s6 =	simm.s32 $0x108;
	_ =	swait.ge @!p0 [sflag:s8], $0x0  }
0x24: {  	s3 =	sadd.s32 $0x88, s3;
	s6 =	simm.s32 @!p1 $0x1082;
	[sflag:s4] =	ssyncset.s32 $0xFFFFF086  }
0x25: {  	[simem:s6], [sflag:s4] =	dma.local [hbm:s3], $0xF7A  }
0x26: {  	[smem:$0x3F9E] =	sst s1;
	(tag) =	ssettag s2;
	_ =	strace s9  }
0x27: {  	s1 =	sld [smem:$0x3FAE]  }
0x28: {  	s2 =	sld [smem:$0x3FAF]  }
0x29: {  	s4 =	sld [smem:$0x3FB1]  }
0x2a: {  	p0 =	seq.s32 s5, $0x0;
	s5 =	sld [smem:$0x3FB2]  }
0x2b: {  	s6 =	sld [smem:$0x3FB3]  }
0x2c: {  	s7 =	sld [smem:$0x3FB4]  }
0x2d: {  	s3 =	simm.s32 $0x108;
	s8 =	sld [smem:$0x3FB5]  }
0x2e: {  	s3 =	simm.s32 @!p0 $0x1082;
	s9 =	sld [smem:$0x3FB6]  }
0x2f: {  	lr =	sadd.s32 s0, s3;
	s0 =	sld [smem:$0x3FAD]  }
0x30: {  	s3 =	sld [smem:$0x3FB0]  }
0x31: {  	[smem:$0x3FB9] =	sst s10  }
0x32: {  	s10 =	sld [smem:$0x3FB7];
	_ =	sdelay $0x3  }
0x33: {  	p0 =	seq.s32 s10, $0x1;
	s10 =	sld [smem:$0x3FB9];
	_ =	sdelay $0x3  }
0x34: {  	[smem:$0x3FB9] =	sst s10  }
0x35: {  	s10 =	sld [smem:$0x3FB8];
	_ =	sdelay $0x3  }
0x36: {  	p1 =	seq.s32 s10, $0x1;
	s10 =	sld [smem:$0x3FB9];
	_ =	sdelay $0x3  }
0x37: {  	[smem:$0x3FB9] =	sst s10  }
0x38: {  	s10 =	sld [smem:$0x3FBA]  }
0x39: {  	_ = 	snop;
	(pc) =	sbr.ind lr, $3  }
0x3a: {  	_ = 	snop  }
0x3b: {  	_ = 	snop  }
0x3c: {  	p2 =	seq.s32 s10, $0x1;
	s10 =	sld [smem:$0x3FB9]  }
0x3d: {  	_ =	shalt  }
0x3e: {  	_ =	shalt  }
0x3f: {  	_ =	shalt  }
0x40: {  	_ =	shalt  }
0x41: {  	_ =	shalt  }
0x42: {  	_ =	shalt  }
0x43: {  	_ =	shalt  }
0x44: {  	_ =	shalt  }
0x45: {  	_ =	shalt  }
0x46: {  	_ =	shalt  }
0x47: {  	_ =	shalt  }
0x48: {  	_ =	shalt  }
0x49: {  	_ =	shalt  }
0x4a: {  	_ =	shalt  }
0x4b: {  	_ =	shalt  }
0x4c: {  	_ =	shalt  }
0x4d: {  	_ =	shalt  }
0x4e: {  	_ =	shalt  }
0x4f: {  	_ =	shalt  }
0x50: {  	_ =	shalt  }
0x51: {  	_ =	shalt  }
0x52: {  	_ =	shalt  }
0x53: {  	_ =	shalt  }
0x54: {  	_ =	shalt  }
0x55: {  	_ =	shalt  }
0x56: {  	_ =	shalt  }
0x57: {  	_ =	shalt  }
0x58: {  	_ =	shalt  }
0x59: {  	_ =	shalt  }
0x5a: {  	_ =	shalt  }
0x5b: {  	_ =	shalt  }
0x5c: {  	_ =	shalt  }
0x5d: {  	_ =	shalt  }
0x5e: {  	_ =	shalt  }
0x5f: {  	_ =	shalt  }
0x60: {  	_ =	shalt  }
0x61: {  	_ =	shalt  }
0x62: {  	_ =	shalt  }
0x63: {  	_ =	shalt  }
0x64: {  	_ =	shalt  }
0x65: {  	_ =	shalt  }
0x66: {  	_ =	shalt  }
0x67: {  	_ =	shalt  }
0x68: {  	_ =	shalt  }
0x69: {  	_ =	shalt  }
0x6a: {  	_ =	shalt  }
0x6b: {  	_ =	shalt  }
0x6c: {  	_ =	shalt  }
0x6d: {  	_ =	shalt  }
0x6e: {  	_ =	shalt  }
0x6f: {  	_ =	shalt  }
0x70: {  	_ =	shalt  }
0x71: {  	_ =	shalt  }
0x72: {  	_ =	shalt  }
0x73: {  	_ =	shalt  }
0x74: {  	_ =	shalt  }
0x75: {  	_ =	shalt  }
0x76: {  	_ =	shalt  }
0x77: {  	_ =	shalt  }
0x78: {  	_ =	shalt  }
0x79: {  	_ =	shalt  }
0x7a: {  	_ =	shalt  }
0x7b: {  	_ =	shalt  }
0x7c: {  	_ =	shalt  }
0x7d: {  	_ =	shalt  }
0x7e: {  	_ =	shalt  }
0x7f: {  	_ =	shalt  }
0x80: {  	_ =	shalt  }
0x81: {  	_ =	shalt  }
0x82: {  	_ =	shalt  }
0x83: {  	_ =	shalt  }
0x84: {  	_ =	shalt  }
0x85: {  	_ =	shalt  }
0x86: {  	_ =	shalt  }
0x87: {  	_ =	shalt  }
.Lfunc_end0:
.L_simem_size_0:
called_computation_lowered:
.L_overlay_start_0:
0x88: {  	s2 =	sld [smem:$0x3FD9]  }
0x89: {  	s3 =	sld [smem:$0x3FFE];
	_ =	sdelay $0x1  }
0x8a: {  	s1 =	srdreg.scid  }
0x8b: {  	s0 =	sand.u32 $0x1, s1  }
0x8c: {  	s17 =	sshll.u32 s0, $0xA;
	s2 =	sadd.s32 s3, s2  }
0x8d: {  	s2 =	sadd.s32 s2, s17  }
0x8e: {  	[smem:$0x3FC5] =	sst s2  }
0x8f: {  	_ = 	snop  }
0x90: {  	s2 =	sld [smem:$0x3FD0];
	(tm) =	ssettm $0x1  }
0x91: {  	s18 =	sld [smem:$0x3FFB];
	_ =	sdelay $0x3  }
0x92: {  	_ =	strace s18  }
0x93: {  	s3 =	sld [smem:$0x3FFC];
	_ =	sdelay $0x3  }
0x94: {  	_ =	strace s3  }
0x95: {  	s3 =	sld [smem:$0x3FFD];
	_ =	sdelay $0x3  }
0x96: {  	_ =	strace s3  }
0x97: {  	_ =	strace $0x8FFFFFFF  }
0x98: {  	s19 =	sld [smem:$0x3FDB];
	_ =	sdelay $0x1  }
0x99: {  	s4 =	simm.s32 $_scs_section_size  }
0x9a: {  	s5 =	simm.s32 $_size__tile_overlayer_lowered;
	s6 =	simm.s32 $_tile_overlayer_lowered  }
0x9b: {  	s22 =	simm.s32 $0x1BFF;
	s21 =	sshll.u32 s6, $0x1;
	s3 =	sadd.s32 s4, s19  }
0x9c: {  	s7 =	simm.s32 $0x0;
	s20 =	sshll.u32 s5, $0x1;
	s5 =	sadd.s32 s21, s3  }
0x9d: {  	[timem:s7], [sflag:s22] =	dma.local [hbm:s5], s20  }
0x9e: {  	_ =	swait.ge [sflag:s22], s20  }
0x9f: {  	s4 =	ssub.s32 $0x0, s20;
	[sflag:s22] =	ssyncset.done $0x0  }
0xa0: {  	[sflag:s22] =	ssyncadd.s32 s4;
	_ =	sdelay $0x1  }
0xa1: {  	s23 =	simm.s32 $0x1B8B  }
0xa2: {  	_ =	swait.ge [sflag:s23], $0x1  }
0xa3: {  	[sflag:s23] =	ssyncset.done $0x0  }
0xa4: {  	s25 =	simm.s32 $0x1B8E;
	s24 =	sld [smem:$0x3FFE];
	[sflag:s23] =	ssyncadd.s32 $0xFFFFFFFF  }
0xa5: {  	s26 =	simm.s32 $execute0_lowered;
	[smem:$0x3FD2] =	sst s25  }
0xa6: {  	s5 =	sshll.u32 s26, $0x1;
	_ =	strace $0x80000046;
	[dreg:$0x1] =	wrdreg $0xFFFFFFFF  }
0xa7: {  	s28 =	simm.s32 $_size_execute0_lowered;
	s3 =	sadd.s32 s3, s5;
	[dreg:$0x0] =	wrdreg $0x0  }
0xa8: {  	s5 =	sshll.u32 s28, $0x1;
	[dreg:$0x2] =	wrdreg s3  }
0xa9: {  	[dreg:$0x3] =	wrdreg s5  }
0xaa: {  	[dreg:$0x4] =	wrdreg $0xC0  }
0xab: {  	_ =	task [dreg:s7], $0x5FFFF  }
0xac: {  	[dreg:$0x1] =	wrdreg $0xFFFFFFFF  }
0xad: {  	[dreg:$0x0] =	wrdreg $0x60  }
0xae: {  	[dreg:$0x2] =	wrdreg s24  }
0xaf: {  	[dreg:$0x3] =	wrdreg s2  }
0xb0: {  	[dreg:$0x4] =	wrdreg $0x9  }
0xb1: {  	_ =	task.clear_ibuf [dreg:s7], $0x5FFFF;
	_ =	strace $0x90000046  }
0xb2: {  	s29 =	simm.s32 $0x9;
	_ =	strace $0x80000048  }
0xb3: {  	_ =	swait.ge [sflag:s29], $0x1  }
0xb4: {  	[sflag:s29] =	ssyncadd.s32 $0xFFFFFFFF  }
0xb5: {  	_ =	strace $0x90000048  }
0xb6: {  	_ =	sfence  }
0xb7: {  	s30 =	sld [smem:$0x0];
	_ =	sdelay $0x2  }
0xb8: {  	s31 =	sshll.u32 s1, $0xD;
	s1 =	sshrl.u32 s1, $0x2  }
0xb9: {  	s3 =	sand.u32 $0x4000, s31;
	s1 =	sadd.s32 s1, s30  }
0xba: {  	s0 =	sor.u32 s3, s0;
	s1 =	sshll.u32 s1, $0x11  }
0xbb: {  	s0 =	sor.u32 s1, s0  }
0xbc: {  	s0 =	sadd.s32 $0x8F2B, s0  }
0xbd: {  	[sflag:s0] =	ssyncadd.remote.s32 $0x1  }
0xbe: {  	_ =	sfence.sel $0xFFFF  }
0xbf: {  	[dreg:$0x0] =	wrdreg $0xFFFFFFFF;
	(pc) =	sbr.abs _section_cstart, $3  }
0xc0: {  	[dreg:$0x1] =	wrdreg $0xFFFFFFFF  }
0xc1: {  	_ =	task.clear_ibuf [dreg:s7], $0x2FFFF;
	_ =	strace $0x9FFFFFFF  }
0xc2: {  	(tm) =	ssettm $0x7FFFFFFF  }
0xc3: {  	_ =	shalt  }
tec
execute0_lowered:
.L_overlay_start_1:
0x0: {  	(tag) =	ssettag $0x1  }
0x1: {  	s0 =	rddreg [dreg:$0x0]  }
0x2: {  	s1 =	rddreg [dreg:$0x1];
	s2 =	simm.s32 $0x0  }
0x3: {  	s3 =	srdreg.scid;
	s5 =	stileid.u32;
	s10 =	simm.s32 $0x3  }
0x4: {  	s11 =	simm.s32 $0x200;
	s12 =	simm.s32 $0x8600;
	s13 =	simm.s32 $0x80  }
0x5: {  	s14 =	simm.s32 $0x600;
	s15 =	simm.s32 $0x4600;
	s17 =	simm.s32 $0x280  }
0x6: {  	s18 =	simm.s32 $0x5600;
	s19 =	simm.s32 $0x100;
	s20 =	simm.s32 $0x2600  }
0x7: {  	s21 =	simm.s32 $0x300;
	s22 =	simm.s32 $0x6600;
	s23 =	simm.s32 $0x180  }
0x8: {  	s24 =	simm.s32 $0x3600;
	s28 =	simm.s32 $0x1;
	s29 =	simm.s32 $0x2  }
0x9: {  	s30 =	simm.s32 $0x9280;
	s31 =	simm.s32 $0x0;
	[smem:$0x7FF] =	sst s2  }
0xa: {  	s4 =	sand.u32 $0x1, s3;
	s5 =	sshll.u32 s5, $0x7;
	s3 =	sadd.s32 $0xF42E00, s0  }
0xb: {  	_ =	strace $0x80000047;
	s6 =	sshll.u32 s4, $0x6;
	s25 =	ssub.s32 $0x2, s4  }
0xc: {  	v0 =	vlaneseq.u32;
	s4 =	sadd.s32 $0xA00, s0;
	s8 =	sor.u32 s6, s5;
	s26 =	sshrl.u32 s25, $0x1  }
0xd: {  	v0 =	vmul.u32 $0x20, v0;
	s0 =	sadd.s32 s8, s0;
	s9 =	ssub.s32 s25, s26;
	s8 =	sadd.s32 s1, s8  }
0xe: {  	s25 =	simm.s32 $0x380;
	s26 =	simm.s32 $0x7600;
	s5 =	sadd.s32 $0x1C00, s0  }
0xf: {  	[tilespmem:$0x1FFF0] =	vst v0;
	s6 =	sadd.s32 $0xC00, s0;
	s7 =	sadd.s32 $0x1400, s0;
	s9 =	smax.u32 s9, $0x1  }
.LBB2_1:
0x10: {  	[tilespmem:s2], [sflag:$0x3] =	stream.linear.gather [hbm4b:s5+s2], $0x200, $0x38;
	[tilespmem:$0x9480] =	vst v63  }
0x11: {  	_ =	swait.ge [sflag:s10], $0x200  }
0x12: {  	[sflag:s10] =	ssyncset.done $0x0  }
0x13: {  	[sflag:s10] =	ssyncadd.s32 $0xFFFFFE00  }
0x14: {  	[tilespmem:s11], [sflag:$0x3] =	stream.linear.gather [hbm4b:s6+s2], $0x200, $0x38;
	[tilespmem:$0x9480] =	vst v63  }
0x15: {  	_ =	swait.ge [sflag:s10], $0x200  }
0x16: {  	[sflag:s10] =	ssyncset.done $0x0  }
0x17: {  	s0 =	simm.s32 $0x400;
	[sflag:s10] =	ssyncadd.s32 $0xFFFFFE00  }
0x18: {  	[tilespmem:s0], [sflag:$0x3] =	stream.linear.gather [hbm4b:s7+s2], $0x200, $0x38;
	[tilespmem:$0x9480] =	vst v63  }
0x19: {  	_ =	swait.ge [sflag:s10], $0x200  }
0x1a: {  	[sflag:s10] =	ssyncset.done $0x0  }
0x1b: {  	[sflag:s10] =	ssyncadd.s32 $0xFFFFFE00  }
0x1c: {  	[tilespmem:s12], [sflag:$0x3] =	stream.linear.gather [hbm4b:s4+s2], $0xC80, $0x38;
	[tilespmem:$0x9480] =	vst v63  }
0x1d: {  	_ =	swait.ge [sflag:s10], $0xC80  }
0x1e: {  	[sflag:s10] =	ssyncset.done $0x0  }
0x1f: {  	[sflag:s10] =	ssyncadd.s32 $0xFFFFF380  }
0x20: {  	[tilespmem:s14], [sflag:$0x1] =	stream.indirect.gather [hbm4b:s3+s13], $0x20, s2, s13, $0xb8;
	[tilespmem:$0x9480] =	vst v63  }
0x21: {  	_ = 	snop  }
0x22: {  	[tilespmem:s15], [sflag:$0x2] =	stream.indirect.gather [hbm4b:s3+s13], $0x20, s11, s13, $0xb8;
	[tilespmem:$0x9480] =	vst v63  }
0x23: {  	s1 =	simm.s32 $0x1600  }
0x24: {  	[tilespmem:s1], [sflag:$0x1] =	stream.indirect.gather [hbm4b:s3+s13], $0x20, s13, s13, $0xb8;
	[tilespmem:$0x9480] =	vst v63  }
0x25: {  	_ = 	snop  }
0x26: {  	[tilespmem:s18], [sflag:$0x2] =	stream.indirect.gather [hbm4b:s3+s13], $0x20, s17, s13, $0xb8;
	[tilespmem:$0x9480] =	vst v63  }
0x27: {  	_ = 	snop  }
0x28: {  	[tilespmem:s20], [sflag:$0x1] =	stream.indirect.gather [hbm4b:s3+s13], $0x20, s19, s13, $0xb8;
	[tilespmem:$0x9480] =	vst v63  }
0x29: {  	_ = 	snop  }
0x2a: {  	[tilespmem:s22], [sflag:$0x2] =	stream.indirect.gather [hbm4b:s3+s13], $0x20, s21, s13, $0xb8;
	[tilespmem:$0x9480] =	vst v63  }
0x2b: {  	_ = 	snop  }
0x2c: {  	[tilespmem:s24], [sflag:$0x1] =	stream.indirect.gather [hbm4b:s3+s13], $0x20, s23, s13, $0xb8;
	[tilespmem:$0x9480] =	vst v63  }
0x2d: {  	_ = 	snop  }
0x2e: {  	[tilespmem:s26], [sflag:$0x2] =	stream.indirect.gather [hbm4b:s3+s13], $0x20, s25, s13, $0xb8;
	[tilespmem:$0x9480] =	vst v63  }
0x2f: {  	_ =	swait.ge [sflag:s28], $0x1000  }
0x30: {  	[sflag:s28] =	ssyncset.done $0x0  }
0x31: {  	[sflag:s28] =	ssyncadd.s32 $0xFFFFF000  }
0x32: {  	_ =	swait.ge [sflag:s29], $0x1000  }
0x33: {  	[sflag:s29] =	ssyncset.done $0x0  }
0x34: {  	[sflag:s29] =	ssyncadd.s32 $0xFFFFF000  }
0x35: {  	_ =	swait.ge [sflag:s28], $0x1000  }
0x36: {  	[sflag:s28] =	ssyncset.done $0x0  }
0x37: {  	[sflag:s28] =	ssyncadd.s32 $0xFFFFF000  }
0x38: {  	_ =	swait.ge [sflag:s29], $0x1000  }
0x39: {  	[sflag:s29] =	ssyncset.done $0x0  }
0x3a: {  	[sflag:s29] =	ssyncadd.s32 $0xFFFFF000  }
0x3b: {  	_ =	swait.ge [sflag:s28], $0x1000  }
0x3c: {  	[sflag:s28] =	ssyncset.done $0x0  }
0x3d: {  	[sflag:s28] =	ssyncadd.s32 $0xFFFFF000  }
0x3e: {  	_ =	swait.ge [sflag:s29], $0x1000  }
0x3f: {  	v1 =	vmov s2;
	[sflag:s29] =	ssyncset.done $0x0  }
0x40: {  	v1 =	vshll.u32 v1, $0x5;
	[sflag:s29] =	ssyncadd.s32 $0xFFFFF000  }
0x41: {  	v5 =	vor.u32 v0, v1;
	_ =	swait.ge [sflag:s28], $0x1000  }
0x42: {  	v4 =	vor.u32 $0x1E, v5;
	[sflag:s28] =	ssyncset.done $0x0  }
0x43: {  	v11 =	vor.u32 $0x1B, v5;
	[sflag:s28] =	ssyncadd.s32 $0xFFFFF000  }
0x44: {  	v12 =	vor.u32 $0x1A, v5;
	_ =	swait.ge [sflag:s29], $0x1000  }
0x45: {  	v14 =	vor.u32 $0x19, v5;
	[sflag:s29] =	ssyncset.done $0x0  }
0x46: {  	v16 =	vor.u32 $0x18, v5;
	[sflag:s29] =	ssyncadd.s32 $0xFFFFF000  }
0x47: {  	v18 =	vor.u32 $0x17, v5;
	v1 =	vld.idx.msk [tilespmem:v4+s15+$0x0], $0xffff  }
0x48: {  	v21 =	vor.u32 $0x16, v5;
	v7 =	vld.idx.msk [tilespmem:v11+s15+$0x0], $0xffff  }
0x49: {  	v23 =	vor.u32 $0x15, v5;
	v9 =	vld.idx.msk [tilespmem:v12+s15+$0x0], $0xffff  }
0x4a: {  	v25 =	vor.u32 $0x14, v5;
	v10 =	vld.idx.msk [tilespmem:v14+s15+$0x0], $0xffff  }
0x4b: {  	v27 =	vor.u32 $0x13, v5;
	v13 =	vld.idx.msk [tilespmem:v16+s15+$0x0], $0xffff  }
0x4c: {  	v29 =	vor.u32 $0x12, v5;
	v15 =	vld.idx.msk [tilespmem:v18+s15+$0x0], $0xffff  }
0x4d: {  	v31 =	vor.u32 $0x11, v5;
	v17 =	vld.idx.msk [tilespmem:v21+s15+$0x0], $0xffff  }
0x4e: {  	v33 =	vor.u32 $0x10, v5;
	v19 =	vld.idx.msk [tilespmem:v23+s15+$0x0], $0xffff  }
0x4f: {  	v34 =	vor.u32 $0xF, v5;
	v22 =	vld.idx.msk [tilespmem:v25+s15+$0x0], $0xffff  }
0x50: {  	v35 =	vor.u32 $0xE, v5;
	v24 =	vld.idx.msk [tilespmem:v27+s15+$0x0], $0xffff  }
0x51: {  	v36 =	vor.u32 $0xD, v5;
	v26 =	vld.idx.msk [tilespmem:v29+s15+$0x0], $0xffff  }
0x52: {  	v37 =	vor.u32 $0xC, v5;
	v28 =	vld.idx.msk [tilespmem:v31+s15+$0x0], $0xffff  }
0x53: {  	v38 =	vor.u32 $0xB, v5;
	v30 =	vld.idx.msk [tilespmem:v33+s15+$0x0], $0xffff  }
0x54: {  	v32 =	vld.idx.msk [tilespmem:v34+s15+$0x0], $0xffff  }
0x55: {  	v39 =	vor.u32 $0xA, v5;
	v40 =	vld.idx.msk [tilespmem:v35+s15+$0x0], $0xffff  }
0x56: {  	v41 =	vor.u32 $0x9, v5;
	v42 =	vld.idx.msk [tilespmem:v36+s15+$0x0], $0xffff  }
0x57: {  	v44 =	vor.u32 $0x7, v5;
	v43 =	vld.idx.msk [tilespmem:v37+s15+$0x0], $0xffff  }
0x58: {  	v46 =	vor.u32 $0x5, v5;
	v45 =	vld.idx.msk [tilespmem:v38+s15+$0x0], $0xffff  }
0x59: {  	v47 =	vor.u32 $0x3, v5;
	v20 =	vld [tilespmem:s0+$0x0]  }
0x5a: {  	v49 =	vor.u32 $0x2, v5;
	v48 =	vld.idx.msk [tilespmem:v39+s15+$0x0], $0xffff  }
0x5b: {  	v51 =	vor.u32 $0x1, v5;
	v50 =	vld.idx.msk [tilespmem:v41+s15+$0x0], $0xffff  }
0x5c: {  	v52 =	vld.idx.msk [tilespmem:v44+s15+$0x0], $0xffff  }
0x5d: {  	v6 =	vor.u32 $0x1D, v5;
	v53 =	vld.idx.msk [tilespmem:v46+s15+$0x0], $0xffff  }
0x5e: {  	v54 =	vld.idx.msk [tilespmem:v47+s15+$0x0], $0xffff  }
0x5f: {  	v55 =	vld.idx.msk [tilespmem:v49+s15+$0x0], $0xffff  }
0x60: {  	v56 =	vld.idx.msk [tilespmem:v51+s15+$0x0], $0xffff  }
0x61: {  	v58 =	vld.idx.msk [tilespmem:v5+s15+$0x0], $0xffff;
	v20 =	vshll.u32 v20, $0x5  }
0x62: {  	v8 =	vor.u32 $0x1C, v5;
	[tilespmem:$0x1FFB0] =	vst v1;
	v1 =	vld.idx.msk [tilespmem:v6+s15+$0x0], $0xffff  }
0x63: {  	v59 =	vld.idx.msk [tilespmem:v5+s14+$0x0], $0xffff  }
0x64: {  	v51 =	vld.idx.msk [tilespmem:v51+s14+$0x0], $0xffff;
	v57 =	vor.u32 $0x1, v20  }
0x65: {  	v49 =	vld.idx.msk [tilespmem:v49+s14+$0x0], $0xffff;
	v60 =	vor.u32 $0x2, v20  }
0x66: {  	v63 =	vor.u32 $0x4, v5;
	v61 =	vld.idx.msk [tilespmem:v20+s12+$0x0], $0xffff  }
0x67: {  	v62 =	vor.u32 $0x3, v20;
	[tilespmem:$0x1FFA0] =	vst v1;
	v1 =	vld.idx.msk [tilespmem:v8+s15+$0x0], $0xffff  }
0x68: {  	v47 =	vld.idx.msk [tilespmem:v47+s14+$0x0], $0xffff  }
0x69: {  	v2 =	vor.u32 $0x4, v20;
	v57 =	vld.idx.msk [tilespmem:v57+s12+$0x0], $0xffff  }
0x6a: {  	v60 =	vld.idx.msk [tilespmem:v60+s12+$0x0], $0xffff  }
0x6b: {  	v3 =	vld.idx.msk [tilespmem:v63+s15+$0x0], $0xffff;
	v59 =	vmul.f32 v61, v59;
	v61 =	vor.u32 $0x5, v20  }
0x6c: {  	v62 =	vld.idx.msk [tilespmem:v62+s12+$0x0], $0xffff;
	[tilespmem:$0x1FF90] =	vst v1;
	v1 =	vor.u32 $0x6, v5  }
0x6d: {  	v46 =	vld.idx.msk [tilespmem:v46+s14+$0x0], $0xffff  }
0x6e: {  	v2 =	vld.idx.msk [tilespmem:v2+s12+$0x0], $0xffff;
	v51 =	vmul.f32 v57, v51;
	v58 =	vmul.f32 v59, v58;
	v59 =	vor.u32 $0x6, v20  }
0x6f: {  	v57 =	vld.idx.msk [tilespmem:v63+s14+$0x0], $0xffff;
	v49 =	vmul.f32 v60, v49  }
0x70: {  	v51 =	vmul.f32 v51, v56;
	v56 =	vadd.f32 $0.0e+00, v58;
	v58 =	vor.u32 $0x7, v20;
	v60 =	vld.idx.msk [tilespmem:v61+s12+$0x0], $0xffff  }
0x71: {  	v47 =	vmul.f32 v62, v47;
	v63 =	vor.u32 $0x8, v20;
	v61 =	vld.idx.msk [tilespmem:v1+s15+$0x0], $0xffff  }
0x72: {  	v49 =	vmul.f32 v49, v55;
	v1 =	vld.idx.msk [tilespmem:v1+s14+$0x0], $0xffff;
	v51 =	vadd.f32 v51, v56;
	v56 =	vor.u32 $0x8, v5  }
0x73: {  	v59 =	vld.idx.msk [tilespmem:v59+s12+$0x0], $0xffff  }
0x74: {  	v44 =	vld.idx.msk [tilespmem:v44+s14+$0x0], $0xffff;
	v47 =	vmul.f32 v47, v54;
	v2 =	vmul.f32 v2, v57;
	v49 =	vadd.f32 v49, v51  }
0x75: {  	v57 =	vor.u32 $0x9, v20;
	v58 =	vld.idx.msk [tilespmem:v58+s12+$0x0], $0xffff  }
0x76: {  	v55 =	vld.idx.msk [tilespmem:v63+s12+$0x0], $0xffff;
	v2 =	vmul.f32 v2, v3;
	v47 =	vadd.f32 v47, v49;
	v46 =	vmul.f32 v60, v46  }
0x77: {  	v60 =	vor.u32 $0xA, v20;
	v3 =	vld.idx.msk [tilespmem:v56+s14+$0x0], $0xffff  }
0x78: {  	v41 =	vld.idx.msk [tilespmem:v41+s14+$0x0], $0xffff;
	v2 =	vadd.f32 v2, v47;
	v46 =	vmul.f32 v46, v53;
	v1 =	vmul.f32 v59, v1  }
0x79: {  	v63 =	vor.u32 $0xB, v20;
	v62 =	vld.idx.msk [tilespmem:v56+s15+$0x0], $0xffff  }
0x7a: {  	v56 =	vld.idx.msk [tilespmem:v57+s12+$0x0], $0xffff;
	v2 =	vadd.f32 v46, v2;
	v1 =	vmul.f32 v1, v61;
	v44 =	vmul.f32 v58, v44  }
0x7b: {  	v39 =	vld.idx.msk [tilespmem:v39+s14+$0x0], $0xffff;
	v57 =	vor.u32 $0xC, v20;
	v59 =	vor.u32 $0xD, v20  }
0x7c: {  	v58 =	vld.idx.msk [tilespmem:v60+s12+$0x0], $0xffff;
	v1 =	vadd.f32 v1, v2;
	v2 =	vmul.f32 v44, v52;
	v3 =	vmul.f32 v55, v3  }
0x7d: {  	v38 =	vld.idx.msk [tilespmem:v38+s14+$0x0], $0xffff  }
0x7e: {  	v1 =	vadd.f32 v2, v1;
	v2 =	vmul.f32 v3, v62;
	v3 =	vld.idx.msk [tilespmem:v63+s12+$0x0], $0xffff  }
0x7f: {  	v37 =	vld.idx.msk [tilespmem:v37+s14+$0x0], $0xffff;
	v60 =	vor.u32 $0xE, v20;
	v41 =	vmul.f32 v56, v41  }
0x80: {  	v61 =	vld.idx.msk [tilespmem:v57+s12+$0x0], $0xffff;
	v62 =	vor.u32 $0xF, v20  }
0x81: {  	v41 =	vmul.f32 v41, v50;
	v63 =	vld.idx.msk [tilespmem:v59+s12+$0x0], $0xffff;
	v1 =	vadd.f32 v2, v1;
	v39 =	vmul.f32 v58, v39  }
0x82: {  	v52 =	vor.u32 $0x10, v20;
	v2 =	vld.idx.msk [tilespmem:v36+s14+$0x0], $0xffff  }
0x83: {  	v35 =	vld.idx.msk [tilespmem:v35+s14+$0x0], $0xffff;
	v1 =	vadd.f32 v41, v1;
	v39 =	vmul.f32 v39, v48;
	v3 =	vmul.f32 v3, v38  }
0x84: {  	v54 =	vor.u32 $0x11, v20;
	v53 =	vld.idx.msk [tilespmem:v60+s12+$0x0], $0xffff  }
0x85: {  	v34 =	vld.idx.msk [tilespmem:v34+s14+$0x0], $0xffff;
	v37 =	vmul.f32 v61, v37;
	v1 =	vadd.f32 v39, v1;
	v3 =	vmul.f32 v3, v45  }
0x86: {  	v55 =	vor.u32 $0x12, v20;
	v36 =	vld.idx.msk [tilespmem:v62+s12+$0x0], $0xffff  }
0x87: {  	v33 =	vld.idx.msk [tilespmem:v33+s14+$0x0], $0xffff;
	v2 =	vmul.f32 v63, v2;
	v1 =	vadd.f32 v3, v1;
	v3 =	vmul.f32 v37, v43  }
0x88: {  	v57 =	vor.u32 $0x13, v20;
	v56 =	vld.idx.msk [tilespmem:v52+s12+$0x0], $0xffff  }
0x89: {  	v31 =	vld.idx.msk [tilespmem:v31+s14+$0x0], $0xffff;
	v2 =	vmul.f32 v2, v42;
	v1 =	vadd.f32 v3, v1;
	v3 =	vmul.f32 v53, v35  }
0x8a: {  	v59 =	vor.u32 $0x14, v20;
	v58 =	vld.idx.msk [tilespmem:v54+s12+$0x0], $0xffff  }
0x8b: {  	v29 =	vld.idx.msk [tilespmem:v29+s14+$0x0], $0xffff;
	v1 =	vadd.f32 v2, v1;
	v2 =	vmul.f32 v3, v40;
	v3 =	vmul.f32 v36, v34  }
0x8c: {  	v60 =	vld.idx.msk [tilespmem:v55+s12+$0x0], $0xffff;
	v61 =	vor.u32 $0x15, v20  }
0x8d: {  	v27 =	vld.idx.msk [tilespmem:v27+s14+$0x0], $0xffff;
	v1 =	vadd.f32 v2, v1;
	v2 =	vmul.f32 v3, v32;
	v3 =	vmul.f32 v56, v33  }
0x8e: {  	v62 =	vld.idx.msk [tilespmem:v57+s12+$0x0], $0xffff;
	v63 =	vor.u32 $0x16, v20  }
0x8f: {  	v25 =	vld.idx.msk [tilespmem:v25+s14+$0x0], $0xffff;
	v1 =	vadd.f32 v2, v1;
	v2 =	vmul.f32 v3, v30;
	v3 =	vmul.f32 v58, v31  }
0x90: {  	v30 =	vld.idx.msk [tilespmem:v59+s12+$0x0], $0xffff;
	v31 =	vor.u32 $0x17, v20  }
0x91: {  	v23 =	vld.idx.msk [tilespmem:v23+s14+$0x0], $0xffff;
	v1 =	vadd.f32 v2, v1;
	v2 =	vmul.f32 v3, v28;
	v3 =	vmul.f32 v60, v29  }
0x92: {  	v28 =	vld.idx.msk [tilespmem:v61+s12+$0x0], $0xffff;
	v29 =	vor.u32 $0x18, v20  }
0x93: {  	v21 =	vld.idx.msk [tilespmem:v21+s14+$0x0], $0xffff;
	v1 =	vadd.f32 v2, v1;
	v2 =	vmul.f32 v3, v26;
	v3 =	vmul.f32 v62, v27  }
0x94: {  	v26 =	vld.idx.msk [tilespmem:v63+s12+$0x0], $0xffff;
	v27 =	vor.u32 $0x19, v20  }
0x95: {  	v18 =	vld.idx.msk [tilespmem:v18+s14+$0x0], $0xffff;
	v1 =	vadd.f32 v2, v1;
	v2 =	vmul.f32 v3, v24;
	v3 =	vmul.f32 v30, v25  }
0x96: {  	v24 =	vld.idx.msk [tilespmem:v31+s12+$0x0], $0xffff;
	v25 =	vor.u32 $0x1A, v20  }
0x97: {  	v16 =	vld.idx.msk [tilespmem:v16+s14+$0x0], $0xffff;
	v1 =	vadd.f32 v2, v1;
	v2 =	vmul.f32 v3, v22;
	v3 =	vmul.f32 v28, v23  }
0x98: {  	v22 =	vld.idx.msk [tilespmem:v29+s12+$0x0], $0xffff;
	v23 =	vor.u32 $0x1B, v20  }
0x99: {  	v14 =	vld.idx.msk [tilespmem:v14+s14+$0x0], $0xffff;
	v1 =	vadd.f32 v2, v1;
	v2 =	vmul.f32 v3, v19;
	v3 =	vmul.f32 v26, v21  }
0x9a: {  	v19 =	vld.idx.msk [tilespmem:v27+s12+$0x0], $0xffff  }
0x9b: {  	v12 =	vld.idx.msk [tilespmem:v12+s14+$0x0], $0xffff;
	v1 =	vadd.f32 v2, v1;
	v2 =	vmul.f32 v3, v17;
	v3 =	vmul.f32 v24, v18  }
0x9c: {  	v17 =	vld.idx.msk [tilespmem:v25+s12+$0x0], $0xffff  }
0x9d: {  	v11 =	vld.idx.msk [tilespmem:v11+s14+$0x0], $0xffff;
	v1 =	vadd.f32 v2, v1;
	v2 =	vmul.f32 v3, v15;
	v3 =	vmul.f32 v22, v16  }
0x9e: {  	v15 =	vld.idx.msk [tilespmem:v23+s12+$0x0], $0xffff  }
0x9f: {  	v1 =	vadd.f32 v2, v1;
	v2 =	vmul.f32 v3, v13;
	v3 =	vmul.f32 v19, v14  }
0xa0: {  	v21 =	vor.u32 $0x1C, v20  }
0xa1: {  	v1 =	vadd.f32 v2, v1;
	v2 =	vmul.f32 v3, v10;
	v3 =	vmul.f32 v17, v12;
	_ =	sdelay $0x1  }
0xa2: {  	v1 =	vadd.f32 v2, v1;
	v2 =	vmul.f32 v3, v9;
	v3 =	vmul.f32 v15, v11  }
0xa3: {  	v8 =	vld.idx.msk [tilespmem:v8+s14+$0x0], $0xffff  }
0xa4: {  	v13 =	vld.idx.msk [tilespmem:v21+s12+$0x0], $0xffff;
	v1 =	vadd.f32 v2, v1;
	v2 =	vmul.f32 v3, v7;
	_ =	sdelay $0x1  }
0xa5: {  	v18 =	vor.u32 $0x1D, v20;
	v1 =	vadd.f32 v2, v1;
	v2 =	vld [tilespmem:$0x1FF90];
	_ =	sdelay $0x2  }
0xa6: {  	v3 =	vmul.f32 v13, v8  }
0xa7: {  	v6 =	vld.idx.msk [tilespmem:v6+s14+$0x0], $0xffff  }
0xa8: {  	v10 =	vld.idx.msk [tilespmem:v18+s12+$0x0], $0xffff;
	v2 =	vmul.f32 v3, v2  }
0xa9: {  	v16 =	vor.u32 $0x1E, v20  }
0xaa: {  	v5 =	vor.u32 $0x1F, v5;
	v1 =	vadd.f32 v2, v1;
	v2 =	vld [tilespmem:$0x1FFA0]  }
0xab: {  	v14 =	vor.u32 $0x1F, v20;
	_ =	sdelay $0x1  }
0xac: {  	v4 =	vld.idx.msk [tilespmem:v4+s14+$0x0], $0xffff;
	v3 =	vmul.f32 v10, v6  }
0xad: {  	v9 =	vld.idx.msk [tilespmem:v16+s12+$0x0], $0xffff  }
0xae: {  	v11 =	vld.idx.msk [tilespmem:v5+s14+$0x0], $0xffff;
	v2 =	vmul.f32 v3, v2  }
0xaf: {  	v7 =	vld.idx.msk [tilespmem:v14+s12+$0x0], $0xffff  }
0xb0: {  	v1 =	vadd.f32 v2, v1;
	v2 =	vld [tilespmem:$0x1FFB0];
	_ =	sdelay $0x1  }
0xb1: {  	v5 =	vld.idx.msk [tilespmem:v5+s15+$0x0], $0xffff  }
0xb2: {  	s16 =	simm.s32 $0x10;
	v3 =	vmul.f32 v9, v4  }
0xb3: {  	v6 =	vmov s16  }
0xb4: {  	v7 =	vmul.f32 v7, v11;
	v4 =	vshll.u32 v6, $0x5;
	v2 =	vmul.f32 v3, v2  }
0xb5: {  	v6 =	vor.u32 v0, v4  }
0xb6: {  	v3 =	vor.u32 $0x1E, v6;
	v1 =	vadd.f32 v2, v1;
	v2 =	vmul.f32 v7, v5  }
0xb7: {  	v5 =	vor.u32 $0x1D, v6  }
0xb8: {  	v8 =	vor.u32 $0x1C, v6;
	v1 =	vadd.f32 v2, v1  }
0xb9: {  	v10 =	vor.u32 $0x1B, v6  }
0xba: {  	v16 =	vor.u32 $0x18, v6;
	[tilespmem:s30+$0x0] =	vst v1  }
0xbb: {  	v18 =	vor.u32 $0x17, v6;
	v61 =	vld.idx.msk [tilespmem:v3+s15+$0x0], $0xffff  }
0xbc: {  	v20 =	vor.u32 $0x16, v6;
	v62 =	vld.idx.msk [tilespmem:v5+s15+$0x0], $0xffff  }
0xbd: {  	v22 =	vor.u32 $0x15, v6;
	v63 =	vld.idx.msk [tilespmem:v8+s15+$0x0], $0xffff  }
0xbe: {  	v24 =	vor.u32 $0x14, v6;
	v0 =	vld.idx.msk [tilespmem:v10+s15+$0x0], $0xffff  }
0xbf: {  	v26 =	vor.u32 $0x13, v6;
	v13 =	vld.idx.msk [tilespmem:v16+s15+$0x0], $0xffff  }
0xc0: {  	v28 =	vor.u32 $0x12, v6;
	v15 =	vld.idx.msk [tilespmem:v18+s15+$0x0], $0xffff  }
0xc1: {  	v30 =	vor.u32 $0x11, v6;
	v17 =	vld.idx.msk [tilespmem:v20+s15+$0x0], $0xffff  }
0xc2: {  	v32 =	vor.u32 $0x10, v6;
	v19 =	vld.idx.msk [tilespmem:v22+s15+$0x0], $0xffff  }
0xc3: {  	v12 =	vor.u32 $0x1A, v6;
	v21 =	vld.idx.msk [tilespmem:v24+s15+$0x0], $0xffff  }
0xc4: {  	v34 =	vor.u32 $0xF, v6;
	v23 =	vld.idx.msk [tilespmem:v26+s15+$0x0], $0xffff  }
0xc5: {  	v36 =	vor.u32 $0xE, v6;
	v25 =	vld.idx.msk [tilespmem:v28+s15+$0x0], $0xffff  }
0xc6: {  	v38 =	vor.u32 $0xD, v6;
	v27 =	vld.idx.msk [tilespmem:v30+s15+$0x0], $0xffff  }
0xc7: {  	v40 =	vor.u32 $0xC, v6;
	v29 =	vld.idx.msk [tilespmem:v32+s15+$0x0], $0xffff  }
0xc8: {  	v14 =	vor.u32 $0x19, v6;
	[tilespmem:$0x1FFC0] =	vst v0;
	v0 =	vld.idx.msk [tilespmem:v12+s15+$0x0], $0xffff  }
0xc9: {  	v43 =	vor.u32 $0xB, v6;
	v31 =	vld.idx.msk [tilespmem:v34+s15+$0x0], $0xffff  }
0xca: {  	v45 =	vor.u32 $0xA, v6;
	v33 =	vld.idx.msk [tilespmem:v36+s15+$0x0], $0xffff  }
0xcb: {  	v47 =	vor.u32 $0x9, v6;
	v35 =	vld.idx.msk [tilespmem:v38+s15+$0x0], $0xffff  }
0xcc: {  	v48 =	vor.u32 $0x8, v6;
	v37 =	vld.idx.msk [tilespmem:v40+s15+$0x0], $0xffff  }
0xcd: {  	[tilespmem:$0x1FFD0] =	vst v0;
	v0 =	vld.idx.msk [tilespmem:v14+s15+$0x0], $0xffff  }
0xce: {  	v39 =	vld.idx.msk [tilespmem:v43+s15+$0x0], $0xffff  }
0xcf: {  	v41 =	vld.idx.msk [tilespmem:v45+s15+$0x0], $0xffff  }
0xd0: {  	v44 =	vld.idx.msk [tilespmem:v47+s15+$0x0], $0xffff  }
0xd1: {  	s1 =	simm.s32 $0x410;
	v49 =	vor.u32 $0x7, v6;
	v50 =	vor.u32 $0x6, v6;
	v46 =	vld.idx.msk [tilespmem:v48+s15+$0x0], $0xffff  }
0xd2: {  	s0 =	simm.s32 $0x9280;
	s16 =	simm.s32 $0x20;
	v51 =	vor.u32 $0x5, v6;
	v52 =	vor.u32 $0x4, v6;
	v53 =	vor.u32 $0x3, v6;
	v42 =	vld [tilespmem:s1+$0x0];
	[tilespmem:$0x1FFE0] =	vst v0  }
.LBB2_2:
0xd3: {  	_ =	sdelay $0x2  }
0xd4: {  	v55 =	vld.idx.msk [tilespmem:v49+s15+$0x0], $0xffff  }
0xd5: {  	v57 =	vld.idx.msk [tilespmem:v50+s15+$0x0], $0xffff  }
0xd6: {  	v54 =	vor.u32 $0x2, v6;
	v58 =	vld.idx.msk [tilespmem:v51+s15+$0x0], $0xffff  }
0xd7: {  	v56 =	vor.u32 $0x1, v6;
	v59 =	vld.idx.msk [tilespmem:v52+s15+$0x0], $0xffff  }
0xd8: {  	v60 =	vld.idx.msk [tilespmem:v53+s15+$0x0], $0xffff  }
0xd9: {  	v0 =	vld.idx.msk [tilespmem:v6+s15+$0x0], $0xffff;
	v42 =	vshll.u32 v42, $0x5  }
0xda: {  	v1 =	vld.idx.msk [tilespmem:v6+s14+$0x0], $0xffff;
	[tilespmem:$0x1FF60] =	vst v63  }
0xdb: {  	[tilespmem:$0x1FF80] =	vst v61;
	v61 =	vld.idx.msk [tilespmem:v54+s15+$0x0], $0xffff;
	v63 =	vor.u32 $0x1, v42  }
0xdc: {  	[tilespmem:$0x1FF70] =	vst v62;
	v62 =	vld.idx.msk [tilespmem:v56+s15+$0x0], $0xffff;
	v2 =	vor.u32 $0x2, v42  }
0xdd: {  	v56 =	vld.idx.msk [tilespmem:v56+s14+$0x0], $0xffff  }
0xde: {  	v4 =	vld.idx.msk [tilespmem:v42+s12+$0x0], $0xffff  }
0xdf: {  	v7 =	vor.u32 $0x3, v42;
	v54 =	vld.idx.msk [tilespmem:v54+s14+$0x0], $0xffff  }
0xe0: {  	v63 =	vld.idx.msk [tilespmem:v63+s12+$0x0], $0xffff  }
0xe1: {  	v9 =	vor.u32 $0x4, v42;
	v2 =	vld.idx.msk [tilespmem:v2+s12+$0x0], $0xffff  }
0xe2: {  	v53 =	vld.idx.msk [tilespmem:v53+s14+$0x0], $0xffff  }
0xe3: {  	v51 =	vld.idx.msk [tilespmem:v51+s14+$0x0], $0xffff;
	v11 =	vor.u32 $0x5, v42;
	v1 =	vmul.f32 v4, v1  }
0xe4: {  	v4 =	vld.idx.msk [tilespmem:v7+s12+$0x0], $0xffff  }
0xe5: {  	v7 =	vld.idx.msk [tilespmem:v52+s14+$0x0], $0xffff;
	v52 =	vor.u32 $0x6, v42;
	v0 =	vmul.f32 v1, v0;
	v1 =	vmul.f32 v63, v56  }
0xe6: {  	v9 =	vld.idx.msk [tilespmem:v9+s12+$0x0], $0xffff;
	v2 =	vmul.f32 v2, v54  }
0xe7: {  	v50 =	vld.idx.msk [tilespmem:v50+s14+$0x0], $0xffff;
	v56 =	vor.u32 $0x7, v42;
	v0 =	vadd.f32 $0.0e+00, v0;
	v1 =	vmul.f32 v1, v62  }
0xe8: {  	v11 =	vld.idx.msk [tilespmem:v11+s12+$0x0], $0xffff;
	v63 =	vor.u32 $0x8, v42  }
0xe9: {  	v49 =	vld.idx.msk [tilespmem:v49+s14+$0x0], $0xffff;
	v0 =	vadd.f32 v1, v0;
	v1 =	vmul.f32 v2, v61;
	v2 =	vmul.f32 v4, v53  }
0xea: {  	v4 =	vld.idx.msk [tilespmem:v52+s12+$0x0], $0xffff;
	v61 =	vor.u32 $0x9, v42  }
0xeb: {  	v47 =	vld.idx.msk [tilespmem:v47+s14+$0x0], $0xffff;
	v0 =	vadd.f32 v1, v0;
	v1 =	vmul.f32 v2, v60;
	v2 =	vmul.f32 v9, v7  }
0xec: {  	v62 =	vor.u32 $0xA, v42;
	v7 =	vld.idx.msk [tilespmem:v56+s12+$0x0], $0xffff  }
0xed: {  	v9 =	vld.idx.msk [tilespmem:v48+s14+$0x0], $0xffff;
	v0 =	vadd.f32 v1, v0;
	v1 =	vmul.f32 v2, v59;
	v2 =	vmul.f32 v11, v51  }
0xee: {  	v11 =	vld.idx.msk [tilespmem:v63+s12+$0x0], $0xffff;
	v63 =	vor.u32 $0xB, v42  }
0xef: {  	v45 =	vld.idx.msk [tilespmem:v45+s14+$0x0], $0xffff;
	v0 =	vadd.f32 v1, v0;
	v1 =	vmul.f32 v2, v58;
	v2 =	vmul.f32 v4, v50  }
0xf0: {  	v53 =	vor.u32 $0xC, v42;
	v4 =	vld.idx.msk [tilespmem:v61+s12+$0x0], $0xffff  }
0xf1: {  	v43 =	vld.idx.msk [tilespmem:v43+s14+$0x0], $0xffff;
	v0 =	vadd.f32 v1, v0;
	v1 =	vmul.f32 v2, v57;
	v2 =	vmul.f32 v7, v49  }
0xf2: {  	v54 =	vor.u32 $0xD, v42;
	v7 =	vld.idx.msk [tilespmem:v62+s12+$0x0], $0xffff  }
0xf3: {  	v38 =	vld.idx.msk [tilespmem:v38+s14+$0x0], $0xffff;
	v0 =	vadd.f32 v1, v0;
	v1 =	vmul.f32 v2, v55;
	v2 =	vmul.f32 v11, v9  }
0xf4: {  	v56 =	vor.u32 $0xE, v42;
	v9 =	vld.idx.msk [tilespmem:v63+s12+$0x0], $0xffff  }
0xf5: {  	v11 =	vld.idx.msk [tilespmem:v40+s14+$0x0], $0xffff;
	v0 =	vadd.f32 v1, v0;
	v1 =	vmul.f32 v2, v46;
	v2 =	vmul.f32 v4, v47  }
0xf6: {  	v57 =	vor.u32 $0xF, v42;
	v4 =	vld.idx.msk [tilespmem:v53+s12+$0x0], $0xffff  }
0xf7: {  	v36 =	vld.idx.msk [tilespmem:v36+s14+$0x0], $0xffff;
	v0 =	vadd.f32 v1, v0;
	v1 =	vmul.f32 v2, v44;
	v2 =	vmul.f32 v7, v45  }
0xf8: {  	v58 =	vor.u32 $0x10, v42;
	v7 =	vld.idx.msk [tilespmem:v54+s12+$0x0], $0xffff  }
0xf9: {  	v34 =	vld.idx.msk [tilespmem:v34+s14+$0x0], $0xffff;
	v0 =	vadd.f32 v1, v0;
	v1 =	vmul.f32 v2, v41;
	v2 =	vmul.f32 v9, v43  }
0xfa: {  	v59 =	vor.u32 $0x11, v42;
	v9 =	vld.idx.msk [tilespmem:v56+s12+$0x0], $0xffff  }
0xfb: {  	v30 =	vld.idx.msk [tilespmem:v30+s14+$0x0], $0xffff;
	v0 =	vadd.f32 v1, v0;
	v1 =	vmul.f32 v2, v39;
	v2 =	vmul.f32 v4, v11  }
0xfc: {  	v60 =	vor.u32 $0x12, v42;
	v4 =	vld.idx.msk [tilespmem:v57+s12+$0x0], $0xffff  }
0xfd: {  	v11 =	vld.idx.msk [tilespmem:v32+s14+$0x0], $0xffff;
	v0 =	vadd.f32 v1, v0;
	v1 =	vmul.f32 v2, v37;
	v2 =	vmul.f32 v7, v38  }
0xfe: {  	v61 =	vor.u32 $0x13, v42;
	v7 =	vld.idx.msk [tilespmem:v58+s12+$0x0], $0xffff  }
0xff: {  	v28 =	vld.idx.msk [tilespmem:v28+s14+$0x0], $0xffff;
	v0 =	vadd.f32 v1, v0;
	v1 =	vmul.f32 v2, v35;
	v2 =	vmul.f32 v9, v36  }
0x100: {  	v62 =	vor.u32 $0x14, v42;
	v9 =	vld.idx.msk [tilespmem:v59+s12+$0x0], $0xffff  }
0x101: {  	v26 =	vld.idx.msk [tilespmem:v26+s14+$0x0], $0xffff;
	v0 =	vadd.f32 v1, v0;
	v1 =	vmul.f32 v2, v33;
	v2 =	vmul.f32 v4, v34  }
0x102: {  	v63 =	vor.u32 $0x15, v42;
	v4 =	vld.idx.msk [tilespmem:v60+s12+$0x0], $0xffff  }
0x103: {  	v0 =	vadd.f32 v1, v0;
	v1 =	vmul.f32 v2, v31;
	v2 =	vmul.f32 v7, v11;
	v7 =	vld.idx.msk [tilespmem:v61+s12+$0x0], $0xffff  }
0x104: {  	v11 =	vld.idx.msk [tilespmem:v24+s14+$0x0], $0xffff;
	v24 =	vor.u32 $0x16, v42  }
0x105: {  	v0 =	vadd.f32 v1, v0;
	v1 =	vmul.f32 v2, v29;
	v2 =	vmul.f32 v9, v30  }
0x106: {  	v9 =	vld.idx.msk [tilespmem:v62+s12+$0x0], $0xffff;
	v29 =	vor.u32 $0x17, v42  }
0x107: {  	v22 =	vld.idx.msk [tilespmem:v22+s14+$0x0], $0xffff;
	v0 =	vadd.f32 v1, v0;
	v1 =	vmul.f32 v2, v27;
	v2 =	vmul.f32 v4, v28  }
0x108: {  	v4 =	vld.idx.msk [tilespmem:v63+s12+$0x0], $0xffff;
	v27 =	vor.u32 $0x18, v42  }
0x109: {  	v20 =	vld.idx.msk [tilespmem:v20+s14+$0x0], $0xffff;
	v0 =	vadd.f32 v1, v0;
	v1 =	vmul.f32 v2, v25;
	v2 =	vmul.f32 v7, v26  }
0x10a: {  	v7 =	vld.idx.msk [tilespmem:v24+s12+$0x0], $0xffff  }
0x10b: {  	v18 =	vld.idx.msk [tilespmem:v18+s14+$0x0], $0xffff;
	v0 =	vadd.f32 v1, v0;
	v1 =	vmul.f32 v2, v23;
	v2 =	vmul.f32 v9, v11  }
0x10c: {  	v9 =	vld.idx.msk [tilespmem:v29+s12+$0x0], $0xffff  }
0x10d: {  	v11 =	vld.idx.msk [tilespmem:v16+s14+$0x0], $0xffff;
	v0 =	vadd.f32 v1, v0;
	v1 =	vmul.f32 v2, v21;
	v2 =	vmul.f32 v4, v22  }
0x10e: {  	v4 =	vld.idx.msk [tilespmem:v27+s12+$0x0], $0xffff  }
0x10f: {  	v0 =	vadd.f32 v1, v0;
	v1 =	vmul.f32 v2, v19;
	v2 =	vmul.f32 v7, v20  }
0x110: {  	v24 =	vor.u32 $0x19, v42  }
0x111: {  	v0 =	vadd.f32 v1, v0;
	v1 =	vmul.f32 v2, v17;
	v2 =	vmul.f32 v9, v18;
	_ =	sdelay $0x1  }
0x112: {  	v0 =	vadd.f32 v1, v0;
	v1 =	vmul.f32 v2, v15;
	v2 =	vmul.f32 v4, v11  }
0x113: {  	v14 =	vld.idx.msk [tilespmem:v14+s14+$0x0], $0xffff  }
0x114: {  	v7 =	vld.idx.msk [tilespmem:v24+s12+$0x0], $0xffff;
	v0 =	vadd.f32 v1, v0;
	v1 =	vmul.f32 v2, v13;
	_ =	sdelay $0x1  }
0x115: {  	v16 =	vor.u32 $0x1A, v42;
	v0 =	vadd.f32 v1, v0;
	v1 =	vld [tilespmem:$0x1FFE0];
	_ =	sdelay $0x2  }
0x116: {  	v2 =	vmul.f32 v7, v14  }
0x117: {  	v12 =	vld.idx.msk [tilespmem:v12+s14+$0x0], $0xffff  }
0x118: {  	v9 =	vld.idx.msk [tilespmem:v16+s12+$0x0], $0xffff;
	v1 =	vmul.f32 v2, v1;
	_ =	sdelay $0x1  }
0x119: {  	v21 =	vor.u32 $0x1B, v42;
	v0 =	vadd.f32 v1, v0;
	v1 =	vld [tilespmem:$0x1FFD0];
	_ =	sdelay $0x2  }
0x11a: {  	v2 =	vmul.f32 v9, v12  }
0x11b: {  	v10 =	vld.idx.msk [tilespmem:v10+s14+$0x0], $0xffff  }
0x11c: {  	v4 =	vld.idx.msk [tilespmem:v21+s12+$0x0], $0xffff;
	v1 =	vmul.f32 v2, v1;
	_ =	sdelay $0x1  }
0x11d: {  	v19 =	vor.u32 $0x1C, v42;
	v0 =	vadd.f32 v1, v0;
	v1 =	vld [tilespmem:$0x1FFC0];
	_ =	sdelay $0x2  }
0x11e: {  	v2 =	vmul.f32 v4, v10  }
0x11f: {  	v8 =	vld.idx.msk [tilespmem:v8+s14+$0x0], $0xffff  }
0x120: {  	v7 =	vld.idx.msk [tilespmem:v19+s12+$0x0], $0xffff;
	v1 =	vmul.f32 v2, v1;
	_ =	sdelay $0x1  }
0x121: {  	v16 =	vor.u32 $0x1D, v42;
	v0 =	vadd.f32 v1, v0;
	v1 =	vld [tilespmem:$0x1FF60];
	_ =	sdelay $0x2  }
0x122: {  	v2 =	vmul.f32 v7, v8  }
0x123: {  	v5 =	vld.idx.msk [tilespmem:v5+s14+$0x0], $0xffff  }
0x124: {  	v11 =	vor.u32 $0x1E, v42;
	v9 =	vld.idx.msk [tilespmem:v16+s12+$0x0], $0xffff;
	v1 =	vmul.f32 v2, v1;
	_ =	sdelay $0x1  }
0x125: {  	v6 =	vor.u32 $0x1F, v6;
	v0 =	vadd.f32 v1, v0;
	v1 =	vld [tilespmem:$0x1FF70]  }
0x126: {  	v13 =	vor.u32 $0x1F, v42  }
0x127: {  	v3 =	vld.idx.msk [tilespmem:v3+s14+$0x0], $0xffff  }
0x128: {  	v4 =	vld.idx.msk [tilespmem:v11+s12+$0x0], $0xffff;
	v2 =	vmul.f32 v9, v5;
	_ =	sdelay $0x1  }
0x129: {  	v10 =	vld.idx.msk [tilespmem:v6+s14+$0x0], $0xffff;
	v1 =	vmul.f32 v2, v1  }
0x12a: {  	v7 =	vld.idx.msk [tilespmem:v13+s12+$0x0], $0xffff  }
0x12b: {  	v0 =	vadd.f32 v1, v0;
	v1 =	vld [tilespmem:$0x1FF80]  }
0x12c: {  	v2 =	vmul.f32 v4, v3;
	v4 =	vld [tilespmem:$0x1FFF0]  }
0x12d: {  	v5 =	vld.idx.msk [tilespmem:v6+s15+$0x0], $0xffff;
	_ =	sdelay $0x1  }
0x12e: {  	v6 =	vmov s16  }
0x12f: {  	v3 =	vshll.u32 v6, $0x5;
	v1 =	vmul.f32 v2, v1;
	v2 =	vmul.f32 v7, v10  }
0x130: {  	v6 =	vor.u32 v4, v3  }
0x131: {  	v3 =	vor.u32 $0x1E, v6;
	v0 =	vadd.f32 v1, v0;
	v1 =	vmul.f32 v2, v5  }
0x132: {  	v5 =	vor.u32 $0x1D, v6  }
0x133: {  	v8 =	vor.u32 $0x1C, v6;
	v0 =	vadd.f32 v1, v0  }
0x134: {  	s0 =	sadd.s32 $0x10, s0;
	v10 =	vor.u32 $0x1B, v6  }
0x135: {  	v16 =	vor.u32 $0x18, v6;
	[tilespmem:s0+$0x0] =	vst v0  }
0x136: {  	v18 =	vor.u32 $0x17, v6;
	v61 =	vld.idx.msk [tilespmem:v3+s15+$0x0], $0xffff  }
0x137: {  	v20 =	vor.u32 $0x16, v6;
	v62 =	vld.idx.msk [tilespmem:v5+s15+$0x0], $0xffff  }
0x138: {  	v22 =	vor.u32 $0x15, v6;
	v63 =	vld.idx.msk [tilespmem:v8+s15+$0x0], $0xffff  }
0x139: {  	v24 =	vor.u32 $0x14, v6;
	v0 =	vld.idx.msk [tilespmem:v10+s15+$0x0], $0xffff  }
0x13a: {  	v26 =	vor.u32 $0x13, v6;
	v13 =	vld.idx.msk [tilespmem:v16+s15+$0x0], $0xffff  }
0x13b: {  	v28 =	vor.u32 $0x12, v6;
	v15 =	vld.idx.msk [tilespmem:v18+s15+$0x0], $0xffff  }
0x13c: {  	v30 =	vor.u32 $0x11, v6;
	v17 =	vld.idx.msk [tilespmem:v20+s15+$0x0], $0xffff  }
0x13d: {  	v32 =	vor.u32 $0x10, v6;
	v19 =	vld.idx.msk [tilespmem:v22+s15+$0x0], $0xffff  }
0x13e: {  	v12 =	vor.u32 $0x1A, v6;
	v21 =	vld.idx.msk [tilespmem:v24+s15+$0x0], $0xffff  }
0x13f: {  	v34 =	vor.u32 $0xF, v6;
	v23 =	vld.idx.msk [tilespmem:v26+s15+$0x0], $0xffff  }
0x140: {  	v36 =	vor.u32 $0xE, v6;
	v25 =	vld.idx.msk [tilespmem:v28+s15+$0x0], $0xffff  }
0x141: {  	v38 =	vor.u32 $0xD, v6;
	v27 =	vld.idx.msk [tilespmem:v30+s15+$0x0], $0xffff  }
0x142: {  	v40 =	vor.u32 $0xC, v6;
	v29 =	vld.idx.msk [tilespmem:v32+s15+$0x0], $0xffff  }
0x143: {  	v14 =	vor.u32 $0x19, v6;
	[tilespmem:$0x1FFC0] =	vst v0;
	v0 =	vld.idx.msk [tilespmem:v12+s15+$0x0], $0xffff  }
0x144: {  	v43 =	vor.u32 $0xB, v6;
	v31 =	vld.idx.msk [tilespmem:v34+s15+$0x0], $0xffff  }
0x145: {  	v45 =	vor.u32 $0xA, v6;
	v33 =	vld.idx.msk [tilespmem:v36+s15+$0x0], $0xffff  }
0x146: {  	v47 =	vor.u32 $0x9, v6;
	v35 =	vld.idx.msk [tilespmem:v38+s15+$0x0], $0xffff  }
0x147: {  	v48 =	vor.u32 $0x8, v6;
	v37 =	vld.idx.msk [tilespmem:v40+s15+$0x0], $0xffff  }
0x148: {  	p0 =	sne.s32 s16, $0x1F0;
	[tilespmem:$0x1FFD0] =	vst v0;
	v0 =	vld.idx.msk [tilespmem:v14+s15+$0x0], $0xffff  }
.Ltmp0:
0x149: {  	v39 =	vld.idx.msk [tilespmem:v43+s15+$0x0], $0xffff;
	(pc) =	sbr.rel @p0 .LBB2_2-.Ltmp0, $4  }
0x14a: {  	v41 =	vld.idx.msk [tilespmem:v45+s15+$0x0], $0xffff  }
0x14b: {  	v44 =	vld.idx.msk [tilespmem:v47+s15+$0x0], $0xffff  }
0x14c: {  	s1 =	sadd.s32 $0x10, s1;
	v49 =	vor.u32 $0x7, v6;
	v50 =	vor.u32 $0x6, v6;
	v46 =	vld.idx.msk [tilespmem:v48+s15+$0x0], $0xffff  }
0x14d: {  	s16 =	sadd.s32 $0x10, s16;
	v51 =	vor.u32 $0x5, v6;
	v52 =	vor.u32 $0x4, v6;
	v53 =	vor.u32 $0x3, v6;
	v42 =	vld [tilespmem:s1+$0x0];
	[tilespmem:$0x1FFE0] =	vst v0  }
0x14e: {  	_ =	sdelay $0x3  }
0x14f: {  	v2 =	vld.idx.msk [tilespmem:v53+s15+$0x0], $0xffff  }
0x150: {  	v0 =	vor.u32 $0x2, v6;
	v11 =	vld.idx.msk [tilespmem:v6+s14+$0x0], $0xffff  }
0x151: {  	v1 =	vor.u32 $0x1, v6;
	v53 =	vld.idx.msk [tilespmem:v53+s14+$0x0], $0xffff  }
0x152: {  	v58 =	vld.idx.msk [tilespmem:v6+s15+$0x0], $0xffff;
	v42 =	vshll.u32 v42, $0x5  }
0x153: {  	v59 =	vld.idx.msk [tilespmem:v52+s15+$0x0], $0xffff  }
0x154: {  	v52 =	vld.idx.msk [tilespmem:v52+s14+$0x0], $0xffff;
	v7 =	vor.u32 $0x1, v42  }
0x155: {  	v4 =	vld.idx.msk [tilespmem:v0+s15+$0x0], $0xffff  }
0x156: {  	v9 =	vld.idx.msk [tilespmem:v1+s15+$0x0], $0xffff;
	v54 =	vor.u32 $0x2, v42  }
0x157: {  	v56 =	vor.u32 $0x3, v42;
	v55 =	vld.idx.msk [tilespmem:v42+s12+$0x0], $0xffff  }
0x158: {  	v1 =	vld.idx.msk [tilespmem:v1+s14+$0x0], $0xffff;
	v57 =	vor.u32 $0x4, v42  }
0x159: {  	v7 =	vld.idx.msk [tilespmem:v7+s12+$0x0], $0xffff  }
0x15a: {  	v0 =	vld.idx.msk [tilespmem:v0+s14+$0x0], $0xffff  }
0x15b: {  	v54 =	vld.idx.msk [tilespmem:v54+s12+$0x0], $0xffff  }
0x15c: {  	v56 =	vld.idx.msk [tilespmem:v56+s12+$0x0], $0xffff;
	v11 =	vmul.f32 v55, v11  }
0x15d: {  	v55 =	vld.idx.msk [tilespmem:v57+s12+$0x0], $0xffff;
	v57 =	vor.u32 $0x5, v42  }
0x15e: {  	v48 =	vld.idx.msk [tilespmem:v48+s14+$0x0], $0xffff;
	v1 =	vmul.f32 v7, v1;
	v11 =	vmul.f32 v11, v58  }
0x15f: {  	v7 =	vld.idx.msk [tilespmem:v51+s15+$0x0], $0xffff;
	v58 =	vor.u32 $0x6, v42  }
0x160: {  	v51 =	vld.idx.msk [tilespmem:v51+s14+$0x0], $0xffff;
	v0 =	vmul.f32 v54, v0;
	v1 =	vmul.f32 v1, v9;
	v9 =	vadd.f32 $0.0e+00, v11  }
0x161: {  	v60 =	vor.u32 $0x7, v42;
	v54 =	vld.idx.msk [tilespmem:v50+s15+$0x0], $0xffff  }
0x162: {  	v56 =	vmul.f32 v56, v53;
	v0 =	vmul.f32 v0, v4;
	v1 =	vadd.f32 v1, v9;
	v9 =	vld.idx.msk [tilespmem:v57+s12+$0x0], $0xffff  }
0x163: {  	v50 =	vld.idx.msk [tilespmem:v50+s14+$0x0], $0xffff;
	v53 =	vor.u32 $0x8, v42  }
0x164: {  	v0 =	vadd.f32 v0, v1;
	v1 =	vmul.f32 v56, v2;
	v2 =	vld.idx.msk [tilespmem:v58+s12+$0x0], $0xffff  }
0x165: {  	v57 =	vmul.f32 v55, v52;
	v56 =	vld.idx.msk [tilespmem:v49+s14+$0x0], $0xffff;
	v58 =	vor.u32 $0x9, v42  }
0x166: {  	v0 =	vadd.f32 v1, v0;
	v1 =	vld.idx.msk [tilespmem:v60+s12+$0x0], $0xffff  }
0x167: {  	v11 =	vld.idx.msk [tilespmem:v49+s15+$0x0], $0xffff;
	v49 =	vmul.f32 v57, v59;
	v59 =	vor.u32 $0xA, v42;
	v9 =	vmul.f32 v9, v51  }
0x168: {  	v53 =	vld.idx.msk [tilespmem:v53+s12+$0x0], $0xffff  }
0x169: {  	v0 =	vadd.f32 v49, v0;
	v7 =	vmul.f32 v9, v7;
	v9 =	vld.idx.msk [tilespmem:v47+s14+$0x0], $0xffff;
	v2 =	vmul.f32 v2, v50  }
0x16a: {  	v60 =	vor.u32 $0xB, v42;
	v52 =	vld.idx.msk [tilespmem:v58+s12+$0x0], $0xffff  }
0x16b: {  	v55 =	vld.idx.msk [tilespmem:v45+s14+$0x0], $0xffff;
	v0 =	vadd.f32 v7, v0;
	v2 =	vmul.f32 v2, v54;
	v1 =	vmul.f32 v1, v56  }
0x16c: {  	v57 =	vld.idx.msk [tilespmem:v59+s12+$0x0], $0xffff;
	v56 =	vor.u32 $0xC, v42  }
0x16d: {  	v0 =	vadd.f32 v2, v0;
	v1 =	vmul.f32 v1, v11;
	v2 =	vmul.f32 v53, v48  }
0x16e: {  	v58 =	vld.idx.msk [tilespmem:v43+s14+$0x0], $0xffff;
	v59 =	vor.u32 $0xD, v42  }
0x16f: {  	v9 =	vmul.f32 v52, v9;
	v0 =	vadd.f32 v1, v0;
	v1 =	vmul.f32 v2, v46;
	v2 =	vld.idx.msk [tilespmem:v60+s12+$0x0], $0xffff  }
0x170: {  	v40 =	vld.idx.msk [tilespmem:v40+s14+$0x0], $0xffff;
	v60 =	vor.u32 $0xE, v42  }
0x171: {  	v7 =	vmul.f32 v57, v55;
	v4 =	vld.idx.msk [tilespmem:v56+s12+$0x0], $0xffff;
	v0 =	vadd.f32 v1, v0;
	v1 =	vmul.f32 v9, v44  }
0x172: {  	v49 =	vor.u32 $0xF, v42;
	v48 =	vld.idx.msk [tilespmem:v38+s14+$0x0], $0xffff  }
0x173: {  	v50 =	vld.idx.msk [tilespmem:v59+s12+$0x0], $0xffff;
	v0 =	vadd.f32 v1, v0;
	v1 =	vmul.f32 v7, v41  }
0x174: {  	v36 =	vld.idx.msk [tilespmem:v36+s14+$0x0], $0xffff;
	v51 =	vor.u32 $0x10, v42;
	v2 =	vmul.f32 v2, v58  }
0x175: {  	v0 =	vadd.f32 v1, v0;
	v1 =	vld.idx.msk [tilespmem:v60+s12+$0x0], $0xffff  }
0x176: {  	v34 =	vld.idx.msk [tilespmem:v34+s14+$0x0], $0xffff;
	v52 =	vor.u32 $0x11, v42;
	v4 =	vmul.f32 v4, v40;
	v2 =	vmul.f32 v2, v39  }
0x177: {  	v38 =	vld.idx.msk [tilespmem:v49+s12+$0x0], $0xffff  }
0x178: {  	v53 =	vld.idx.msk [tilespmem:v32+s14+$0x0], $0xffff;
	v7 =	vmul.f32 v50, v48;
	v0 =	vadd.f32 v2, v0;
	v2 =	vmul.f32 v4, v37  }
0x179: {  	v54 =	vor.u32 $0x12, v42;
	v11 =	vld.idx.msk [tilespmem:v51+s12+$0x0], $0xffff  }
0x17a: {  	v55 =	vld.idx.msk [tilespmem:v30+s14+$0x0], $0xffff;
	v0 =	vadd.f32 v2, v0;
	v2 =	vmul.f32 v7, v35;
	v1 =	vmul.f32 v1, v36  }
0x17b: {  	v56 =	vor.u32 $0x13, v42;
	v57 =	vld.idx.msk [tilespmem:v52+s12+$0x0], $0xffff  }
0x17c: {  	v0 =	vadd.f32 v2, v0;
	v1 =	vmul.f32 v1, v33;
	v2 =	vmul.f32 v38, v34  }
0x17d: {  	v28 =	vld.idx.msk [tilespmem:v28+s14+$0x0], $0xffff;
	v58 =	vor.u32 $0x14, v42  }
0x17e: {  	v4 =	vmul.f32 v11, v53;
	v0 =	vadd.f32 v1, v0;
	v1 =	vmul.f32 v2, v31;
	v2 =	vld.idx.msk [tilespmem:v54+s12+$0x0], $0xffff  }
0x17f: {  	v59 =	vld.idx.msk [tilespmem:v26+s14+$0x0], $0xffff;
	v60 =	vor.u32 $0x15, v42  }
0x180: {  	v7 =	vmul.f32 v57, v55;
	v31 =	vld.idx.msk [tilespmem:v56+s12+$0x0], $0xffff;
	v0 =	vadd.f32 v1, v0;
	v1 =	vmul.f32 v4, v29  }
0x181: {  	v24 =	vld.idx.msk [tilespmem:v24+s14+$0x0], $0xffff;
	v32 =	vor.u32 $0x16, v42  }
0x182: {  	v34 =	vld.idx.msk [tilespmem:v58+s12+$0x0], $0xffff;
	v0 =	vadd.f32 v1, v0;
	v1 =	vmul.f32 v7, v27  }
0x183: {  	v22 =	vld.idx.msk [tilespmem:v22+s14+$0x0], $0xffff;
	v2 =	vmul.f32 v2, v28  }
0x184: {  	v35 =	vor.u32 $0x17, v42;
	v0 =	vadd.f32 v1, v0;
	v1 =	vld.idx.msk [tilespmem:v60+s12+$0x0], $0xffff  }
0x185: {  	v36 =	vld.idx.msk [tilespmem:v20+s14+$0x0], $0xffff;
	v4 =	vmul.f32 v31, v59;
	v2 =	vmul.f32 v2, v25  }
0x186: {  	v37 =	vor.u32 $0x18, v42;
	v38 =	vld.idx.msk [tilespmem:v32+s12+$0x0], $0xffff  }
0x187: {  	v7 =	vmul.f32 v34, v24;
	v0 =	vadd.f32 v2, v0;
	v2 =	vmul.f32 v4, v23  }
0x188: {  	v40 =	vor.u32 $0x19, v42;
	v39 =	vld.idx.msk [tilespmem:v18+s14+$0x0], $0xffff  }
0x189: {  	v41 =	vld.idx.msk [tilespmem:v35+s12+$0x0], $0xffff;
	v0 =	vadd.f32 v2, v0;
	v2 =	vmul.f32 v7, v21;
	v1 =	vmul.f32 v1, v22  }
0x18a: {  	v43 =	vld.idx.msk [tilespmem:v16+s14+$0x0], $0xffff  }
0x18b: {  	v9 =	vld.idx.msk [tilespmem:v37+s12+$0x0], $0xffff;
	v0 =	vadd.f32 v2, v0;
	v1 =	vmul.f32 v1, v19;
	v2 =	vmul.f32 v38, v36  }
0x18c: {  	v45 =	vld.idx.msk [tilespmem:v14+s14+$0x0], $0xffff  }
0x18d: {  	v0 =	vadd.f32 v1, v0;
	v1 =	vmul.f32 v2, v17;
	v2 =	vld.idx.msk [tilespmem:v40+s12+$0x0], $0xffff  }
0x18e: {  	v4 =	vmul.f32 v41, v39  }
0x18f: {  	v44 =	vor.u32 $0x1A, v42;
	v54 =	vld [tilespmem:$0x1FFE0]  }
0x190: {  	v7 =	vmul.f32 v9, v43;
	v0 =	vadd.f32 v1, v0;
	v1 =	vmul.f32 v4, v15;
	_ =	sdelay $0x1  }
0x191: {  	v0 =	vadd.f32 v1, v0;
	v1 =	vmul.f32 v7, v13;
	v2 =	vmul.f32 v2, v45  }
0x192: {  	v12 =	vld.idx.msk [tilespmem:v12+s14+$0x0], $0xffff  }
0x193: {  	v48 =	vld.idx.msk [tilespmem:v44+s12+$0x0], $0xffff;
	v0 =	vadd.f32 v1, v0;
	v2 =	vmul.f32 v2, v54;
	_ =	sdelay $0x1  }
0x194: {  	v46 =	vor.u32 $0x1B, v42;
	v0 =	vadd.f32 v2, v0;
	v2 =	vld [tilespmem:$0x1FFD0]  }
0x195: {  	v47 =	vor.u32 $0x1C, v42;
	_ =	sdelay $0x1  }
0x196: {  	v8 =	vld.idx.msk [tilespmem:v8+s14+$0x0], $0xffff;
	v4 =	vmul.f32 v48, v12  }
0x197: {  	v49 =	vld.idx.msk [tilespmem:v10+s14+$0x0], $0xffff;
	v50 =	vor.u32 $0x1D, v42  }
0x198: {  	v51 =	vld.idx.msk [tilespmem:v46+s12+$0x0], $0xffff;
	v2 =	vmul.f32 v4, v2  }
0x199: {  	v52 =	vor.u32 $0x1E, v42;
	v53 =	vld.idx.msk [tilespmem:v47+s12+$0x0], $0xffff  }
0x19a: {  	v55 =	vor.u32 $0x1F, v42;
	v0 =	vadd.f32 v2, v0;
	v2 =	vld [tilespmem:$0x1FFC0]  }
0x19b: {  	v5 =	vld.idx.msk [tilespmem:v5+s14+$0x0], $0xffff;
	v1 =	vor.u32 $0x1F, v6  }
0x19c: {  	v10 =	vld.idx.msk [tilespmem:v50+s12+$0x0], $0xffff  }
0x19d: {  	v3 =	vld.idx.msk [tilespmem:v3+s14+$0x0], $0xffff;
	v56 =	vmul.f32 v51, v49  }
0x19e: {  	v57 =	vld.idx.msk [tilespmem:v52+s12+$0x0], $0xffff  }
0x19f: {  	v58 =	vmul.f32 v53, v8;
	v60 =	vld.idx.msk [tilespmem:v55+s12+$0x0], $0xffff;
	v2 =	vmul.f32 v56, v2  }
0x1a0: {  	v59 =	vld.idx.msk [tilespmem:v1+s14+$0x0], $0xffff  }
0x1a1: {  	v0 =	vadd.f32 v2, v0;
	v2 =	vmul.f32 v58, v63;
	v63 =	vmul.f32 v10, v5  }
0x1a2: {  	v1 =	vld.idx.msk [tilespmem:v1+s15+$0x0], $0xffff  }
0x1a3: {  	v3 =	vmul.f32 v57, v3;
	v0 =	vadd.f32 v2, v0;
	v2 =	vmul.f32 v63, v62;
	_ =	sdelay $0x1  }
0x1a4: {  	v0 =	vadd.f32 v2, v0;
	v2 =	vmul.f32 v3, v61;
	v3 =	vmul.f32 v60, v59;
	_ =	sdelay $0x1  }
0x1a5: {  	v0 =	vadd.f32 v2, v0;
	v1 =	vmul.f32 v3, v1;
	_ =	sdelay $0x1  }
0x1a6: {  	s31 =	sadd.s32 $0x1, s31;
	v0 =	vadd.f32 v1, v0  }
0x1a7: {  	s0 =	sadd.s32 $0x10, s0;
	p0 =	sne.s32 s31, s9  }
.Ltmp1:
0x1a8: {  	[tilespmem:s0+$0x0] =	vst v0;
	(pc) =	sbr.rel @p0 .LBB2_1-.Ltmp1, $4  }
0x1a9: {  	[hbm4b:s8+s2] =	stream.linear.scatter [tilespmem:s30], [sflag:$0x3], $0x200, $0x38;
	[tilespmem:$0x9480] =	vst v63  }
0x1aa: {  	_ =	swait.ge [sflag:s10], $0x200  }
0x1ab: {  	[sflag:s10] =	ssyncset.done $0x0  }
0x1ac: {  	v0 =	vld [tilespmem:$0x1FFF0];
	[sflag:s10] =	ssyncadd.s32 $0xFFFFFE00  }
0x1ad: {  	_ =	sfence.sel $0x180000  }
0x1ae: {  	[bflag:$0x0] =	sbarrier.arrive $0xFFFF  }
0x1af: {  	_ =	strace $0x90000047  }
0x1b0: {  	s0 =	stileid.u32;
	[bflag:$0x2] =	sbarrier.arrive $0xFFFF  }
0x1b1: {  	p0 =	sne.s32 s0, $0x0;
	s0 =	rddreg [dreg:$0x2]  }
0x1b2: {  	s0 =	sadd.s32 @!p0 $0x100000, s0  }
0x1b3: {  	[sflag:s0] =	ssyncadd.tile.s32 @!p0 $0x1;
	_ =	shalt  }
.Lfunc_end2:
_tile_overlayer_lowered:
.L_overlay_start_2:
0x1b4: {  	(tag) =	ssettag $0x2  }
0x1b5: {  	s0 =	rddreg [dreg:$0x0];
	s2 =	stileid.u32  }
0x1b6: {  	s1 =	rddreg [dreg:$0x1];
	p0 =	sne.s32 s2, $0x0  }
0x1b7: {  	s3 =	rddreg [dreg:$0x2];
	[bflag:$0x3] =	sbarrier.arrive $0xFFFF;
	s2 =	simm.s32 @!p0 $0x1C03  }
0x1b8: {  	[timem:s3], [sflag:s2] =	dma.local @!p0 [hbm:s0], s1  }
0x1b9: {  	s0 =	simm.s32 @!p0 $0x3  }
0x1ba: {  	_ =	swait.ge @!p0 [sflag:s0], s1  }
0x1bb: {  	s1 =	ssub.s32 @!p0 $0x0, s1;
	[sflag:s0] =	ssyncset.done @!p0 $0x0  }
0x1bc: {  	[sflag:s0] =	ssyncadd.s32 @!p0 s1  }
0x1bd: {  	[bflag:$0x3] =	sbarrier.arrive $0xFFFF  }
0x1be: {  	_ =	shalt  }

</sc_bundles>
